<compile_context>
chip_gen: v7x
topology: tpu7x:2x2x1
jax: 0.10.2.dev20260603
libtpu: 0.0.44.dev20260713+nightly
codegen_flags: <defaults>
</compile_context>

<pallas_src>
import functools

import numpy as np
import jax
import jax.numpy as jnp
from jax import lax
from jax.experimental import pallas as pl
from jax.experimental.pallas import tpu as pltpu
from jax.experimental.pallas import tpu_sc as plsc

_L = 16
_F = 2
_T = 1 << 19
_BASE = 16
_SCALE = 1.3819
_NFREQ = 4
_HID = 64

_RES = np.floor(_BASE * _SCALE ** np.arange(_L)).astype(np.float32)

_jj = np.arange(128)
_G_LR = (_jj // 2) // 8
_G_F = _jj % 2
_G_RES_A = _RES[_G_LR]
_G_RES_B = _RES[_G_LR + 8]
_H_RES = _RES[np.arange(128) // 8]

_P2 = np.uint32(2654435761)
_P3 = np.uint32(805459861)


def _hash_body(res_ref, pos_ref, idxa_ref, idxb_ref):
    pos = pos_ref[...]
    res = res_ref[...]
    t = lax.broadcasted_iota(jnp.int32, (1, 128), 1)
    c = t & 7
    cx, cy, cz = (c >> 2) & 1, (c >> 1) & 1, c & 1
    off = (t >> 3) * _T

    def corner_u32(col, cbit):
        scaled = col * res
        fl = jnp.floor(scaled)
        return (fl.astype(jnp.int32) + cbit).astype(jnp.uint32)

    hx = corner_u32(pos[:, 0:1], cx)
    hy = corner_u32(pos[:, 1:2], cy) * _P2
    hz = corner_u32(pos[:, 2:3], cz) * _P3
    h = hx ^ hy ^ hz
    idx = (h & np.uint32(_T - 1)).astype(jnp.int32) + off
    idxa_ref[...] = idx[:, :64]
    idxb_ref[...] = idx[:, 64:]


def _half_weights(pos, res):
    j = lax.broadcasted_iota(jnp.int32, (1, 128), 1)
    c = (j >> 1) & 7
    w = None
    for dim, cbit in ((0, (c >> 2) & 1), (1, (c >> 1) & 1), (2, c & 1)):
        scaled = pos[:, dim:dim + 1] * res
        frac = scaled - jnp.floor(scaled)
        wd = jnp.where(cbit > 0, frac, 1.0 - frac)
        w = wd if w is None else w * wd
    return w


def _mlp_body(resa_ref, resb_ref, pos_ref, dir_ref, ga_ref, gb_ref,
              wda_ref, wdb_ref, w2_ref,
              wra_ref, wrb_ref, wrd_ref, rw2_ref, rw3_ref, rgb_ref, den_ref):
    pos = pos_ref[...]
    B = pos.shape[0]
    pa = ga_ref[...] * _half_weights(pos, resa_ref[...])
    pb = gb_ref[...] * _half_weights(pos, resb_ref[...])

    dot = functools.partial(jnp.dot, preferred_element_type=jnp.float32)

    h1 = jax.nn.relu(dot(pa, wda_ref[...]) + dot(pb, wdb_ref[...]))
    den_ref[...] = jnp.sum(h1 * w2_ref[...], axis=1, keepdims=True)

    d = dir_ref[...]
    dcat = jnp.concatenate(
        [jnp.broadcast_to(d[:, i:i + 1], (B, 8)) for i in range(3)], axis=1)
    t24 = lax.broadcasted_iota(jnp.int32, (1, 24), 1)
    freq = (1 << (t24 & 3)).astype(jnp.float32)
    ang = dcat * freq
    df = jnp.where((t24 & 7) < 4, jnp.sin(ang), jnp.cos(ang))

    r1 = jax.nn.relu(dot(pa, wra_ref[...]) + dot(pb, wrb_ref[...])
                     + dot(df, wrd_ref[...]))
    r2 = jax.nn.relu(dot(r1, rw2_ref[...]))
    rgb_ref[...] = dot(r2, rw3_ref[...])


def _interleave_body(ina_ref, inb_ref, out_ref):
    a = ina_ref[0]
    b = inb_ref[0]
    t = lax.broadcasted_iota(jnp.int32, (64, 128), 0)
    j = lax.broadcasted_iota(jnp.int32, (64, 128), 1)
    ea = (j == 2 * t).astype(jnp.float32)
    eb = (j == 2 * t + 1).astype(jnp.float32)
    hp = jax.lax.Precision.HIGHEST
    out_ref[...] = (jnp.dot(a, ea, precision=hp) + jnp.dot(b, eb, precision=hp))


def _build_table4(hash_table):
    vin = jnp.transpose(hash_table, (0, 2, 1)).reshape(32, 8192, 64)
    bo = 512
    nrb = 8192 // bo
    out = pl.pallas_call(
        _interleave_body,
        grid=(_L, nrb),
        in_specs=[pl.BlockSpec((1, bo, 64), lambda l, r: (2 * l, r, 0)),
                  pl.BlockSpec((1, bo, 64), lambda l, r: (2 * l + 1, r, 0))],
        out_specs=pl.BlockSpec((bo, 128), lambda l, r: (l * nrb + r, 0)),
        out_shape=jax.ShapeDtypeStruct((_L * 8192, 128), jnp.float32),
    )(vin, vin)
    return out.reshape(_L * _T // 4, 8)


def _vgather16(x, i):
    return jax.lax.gather(
        x, i[:, None],
        jax.lax.GatherDimensionNumbers(offset_dims=(), collapsed_slice_dims=(0,),
                                       start_index_map=(0,)),
        (1,), mode=jax.lax.GatherScatterMode.PROMISE_IN_BOUNDS)


def _sc_gather(table4, idx_a, idx_b, chunk):
    mesh = plsc.VectorSubcoreMesh(core_axis_name="c", subcore_axis_name="s")
    ra = idx_a.shape[0]
    nw = 32
    per_w = ra // nw
    steps = per_w // chunk
    assert steps % 2 == 0 and steps >= 4
    out_sds = jax.ShapeDtypeStruct((2 * ra,), jnp.float32)
    ivmem = lambda: pltpu.VMEM((chunk,), jnp.int32)
    sc_params = pltpu.CompilerParams(use_tc_tiling_on_sc=False,
                                     needs_layout_passes=False)

    @functools.partial(
        pl.kernel, mesh=mesh,
        out_type=[out_sds, out_sds],
        compiler_params=sc_params,
        scratch_types=[ivmem(), ivmem(), ivmem(), ivmem(), ivmem(), ivmem(),
                       pltpu.VMEM((chunk, 8), jnp.float32),
                       pltpu.VMEM((chunk, 8), jnp.float32),
                       pltpu.VMEM((2 * chunk,), jnp.float32),
                       pltpu.VMEM((2 * chunk,), jnp.float32),
                       pltpu.SemaphoreType.DMA, pltpu.SemaphoreType.DMA,
                       pltpu.SemaphoreType.DMA, pltpu.SemaphoreType.DMA,
                       pltpu.SemaphoreType.DMA, pltpu.SemaphoreType.DMA])
    def k(table_hbm, ia_hbm, ib_hbm, oa_hbm, ob_hbm,
          i0, i1, ig0, ig1, sl0, sl1, r0, r1, o0, o1,
          isem0, isem1, gsem0, gsem1, osem0, osem1):
        wid = lax.axis_index("s") * 2 + lax.axis_index("c")
        base = wid * per_w

        lane = lax.broadcasted_iota(jnp.int32, (16,), 0)
        qrel0 = lane >> 1
        qrel1 = qrel0 + 8
        fbit = lane & 1

        def shift(ib, igb, slb):
            @pl.loop(0, chunk, step=16)
            def _(o):
                v = ib[pl.ds(o, 16)]
                igb[pl.ds(o, 16)] = v >> 2
                slb[pl.ds(o, 16)] = (v & 3) << 1

        def compact(rb, slb, ob):
            @pl.loop(0, chunk, step=16)
            def _(o):
                s2 = slb[pl.ds(o, 16)]
                for h, qrel in ((0, qrel0), (1, qrel1)):
                    col = _vgather16(s2, qrel) + fbit
                    val = plsc.load_gather(rb, [o + qrel, col])
                    ob[pl.ds(2 * o + 16 * h, 16)] = val

        def run(i_hbm, o_hbm):
            def iload(s, ib, sem):
                return pltpu.make_async_copy(
                    i_hbm.at[pl.ds(base + s * chunk, chunk)], ib, sem)

            def gath(igb, rb, sem):
                return pltpu.make_async_copy(table_hbm.at[igb], rb, sem)

            def owrite(s, ob, sem):
                return pltpu.make_async_copy(
                    ob, o_hbm.at[pl.ds(2 * (base + s * chunk), 2 * chunk)], sem)

            iload(0, i0, isem0).start()
            iload(1, i1, isem1).start()

            def slot(s, ib, igb, slb, rb, ob, isem, gsem, osem,
                     oigb, oslb, orb, oob, ogsem, oosem):
                iload(s, ib, isem).wait()
                shift(ib, igb, slb)
                gath(igb, rb, gsem).start()

                @pl.when(s + 2 < steps)
                def _():
                    iload(s + 2, ib, isem).start()

                @pl.when(s >= 1)
                def _():
                    gath(oigb, orb, ogsem).wait()

                    @pl.when(s >= 3)
                    def _():
                        owrite(s - 3, oob, oosem).wait()

                    compact(orb, oslb, oob)
                    owrite(s - 1, oob, oosem).start()

            @pl.loop(0, steps, step=2)
            def _(s):
                slot(s, i0, ig0, sl0, r0, o0, isem0, gsem0, osem0,
                     ig1, sl1, r1, o1, gsem1, osem1)
                slot(s + 1, i1, ig1, sl1, r1, o1, isem1, gsem1, osem1,
                     ig0, sl0, r0, o0, gsem0, osem0)

            gath(ig1, r1, gsem1).wait()
            owrite(steps - 3, o1, osem1).wait()
            compact(r1, sl1, o1)
            owrite(steps - 1, o1, osem1).start()
            owrite(steps - 2, o0, osem0).wait()
            owrite(steps - 1, o1, osem1).wait()

        run(ia_hbm, oa_hbm)
        run(ib_hbm, ob_hbm)

    return k(table4, idx_a, idx_b)


def kernel(pos_inputs, dir_inputs, hash_table, pos_W1, pos_W2, rgb_W1, rgb_W2, rgb_W3):
    n = pos_inputs.shape[0]
    table4 = _build_table4(hash_table)

    ba = 2048
    res_h = jnp.asarray(_H_RES).reshape(1, 128)
    idx_a, idx_b = pl.pallas_call(
        _hash_body,
        grid=(n // ba,),
        in_specs=[pl.BlockSpec((1, 128), lambda i: (0, 0)),
                  pl.BlockSpec((ba, 3), lambda i: (i, 0))],
        out_specs=[pl.BlockSpec((ba, 64), lambda i: (i, 0)),
                   pl.BlockSpec((ba, 64), lambda i: (i, 0))],
        out_shape=[jax.ShapeDtypeStruct((n, 64), jnp.int32),
                   jax.ShapeDtypeStruct((n, 64), jnp.int32)],
    )(res_h, pos_inputs)

    ga, gb = _sc_gather(table4, idx_a.reshape(n * 64), idx_b.reshape(n * 64),
                        chunk=4096)
    ga = ga.reshape(n, 128)
    gb = gb.reshape(n, 128)

    rows_a = 2 * _G_LR + _G_F
    rows_b = 2 * (_G_LR + 8) + _G_F
    wda = pos_W1[rows_a, :]
    wdb = pos_W1[rows_b, :]
    wra = rgb_W1[rows_a, :]
    wrb = rgb_W1[rows_b, :]
    wrd = rgb_W1[32:, :]
    w2r = pos_W2.reshape(1, _HID)

    bc = 1024
    res_a = jnp.asarray(_G_RES_A).reshape(1, 128)
    res_b = jnp.asarray(_G_RES_B).reshape(1, 128)
    wspec = lambda r, c: pl.BlockSpec((r, c), lambda i: (0, 0))
    rgb, den = pl.pallas_call(
        _mlp_body,
        grid=(n // bc,),
        in_specs=[wspec(1, 128), wspec(1, 128),
                  pl.BlockSpec((bc, 3), lambda i: (i, 0)),
                  pl.BlockSpec((bc, 3), lambda i: (i, 0)),
                  pl.BlockSpec((bc, 128), lambda i: (i, 0)),
                  pl.BlockSpec((bc, 128), lambda i: (i, 0)),
                  wspec(128, _HID), wspec(128, _HID), wspec(1, _HID),
                  wspec(128, _HID), wspec(128, _HID), wspec(24, _HID),
                  wspec(_HID, _HID), wspec(_HID, 3)],
        out_specs=[pl.BlockSpec((bc, 3), lambda i: (i, 0)),
                   pl.BlockSpec((bc, 1), lambda i: (i, 0))],
        out_shape=[jax.ShapeDtypeStruct((n, 3), jnp.float32),
                   jax.ShapeDtypeStruct((n, 1), jnp.float32)],
    )(res_a, res_b, pos_inputs, dir_inputs, ga, gb, wda, wdb, w2r,
      wra, wrb, wrd, rgb_W2, rgb_W3)
    return rgb, den

# --- scband reference (transcript-rebuilt; emitter-appended) ---
"""Pipeline reference for scband-tcnnne-rf-377957122542 (READ-ONLY COPY).

The authoritative reference and input builder live on the scoring server;
editing this copy changes nothing except your own understanding.
"""

import jax, jax.numpy as jnp
import numpy as np

# Instant-NGP style multiresolution hash grid (tcnn.Encoding 'HashGrid')
L = 16            # n_levels
F = 2             # n_features_per_level
T = 1 << 19       # log2_hashmap_size = 19
BASE_RES = 16
PER_LEVEL_SCALE = 1.3819
N_FREQ = 4        # dir_encoding: Frequency, n_frequencies=4 -> 3*2*4 = 24 dims
POS_OUT = L * F   # 32
RGB_IN = POS_OUT + 3 * 2 * N_FREQ  # 56
HIDDEN = 64

PRIMES = np.array([1, 2654435761, 805459861], dtype=np.uint32)
RESOLUTIONS = np.floor(BASE_RES * PER_LEVEL_SCALE ** np.arange(L)).astype(np.float32)
CORNERS = np.array([[i, j, k] for i in (0, 1) for j in (0, 1) for k in (0, 1)], dtype=np.float32)  # [8,3]


def hash_encode(pos, table):
    # pos: [N,3] in [0,1]; table: [L, T, F]
    feats = []
    for l in range(L):
        res = float(RESOLUTIONS[l])
        scaled = pos * res
        fl = jnp.floor(scaled)
        frac = scaled - fl
        corner = fl[:, None, :] + CORNERS[None, :, :]           # [N,8,3]
        ci = corner.astype(jnp.uint32)
        h = (ci[..., 0] * PRIMES[0]) ^ (ci[..., 1] * PRIMES[1]) ^ (ci[..., 2] * PRIMES[2])
        idx = (h % jnp.uint32(T)).astype(jnp.int32)              # [N,8]
        gathered = jnp.take(table[l], idx, axis=0)               # [N,8,F]
        w = jnp.prod(jnp.where(CORNERS[None, :, :] > 0.5, frac[:, None, :], 1.0 - frac[:, None, :]), axis=-1)  # [N,8]
        feats.append(jnp.sum(gathered * w[..., None], axis=1))   # [N,F]
    return jnp.concatenate(feats, axis=-1)                       # [N, L*F]


def freq_encode(d):
    freqs = 2.0 ** jnp.arange(N_FREQ, dtype=jnp.float32)
    ang = d[..., None] * freqs[None, None, :]                    # [N,3,NF]
    enc = jnp.concatenate([jnp.sin(ang), jnp.cos(ang)], axis=-1)  # [N,3,2*NF]
    return enc.reshape(d.shape[0], -1)                           # [N,24]


def setup_inputs(seed: int = 0) -> dict:
    key = jax.random.key(seed)
    ks = jax.random.split(key, 8)
    N = 262144
    pos_inputs = jax.random.uniform(ks[0], (N, 3), dtype=jnp.float32)
    dir_inputs = jax.random.uniform(ks[1], (N, 3), dtype=jnp.float32)
    hash_table = jax.random.normal(ks[2], (L, T, F), dtype=jnp.float32) * 1e-2
    pos_W1 = jax.random.normal(ks[3], (POS_OUT, HIDDEN), dtype=jnp.float32) * 0.05
    pos_W2 = jax.random.normal(ks[4], (HIDDEN, 1), dtype=jnp.float32) * 0.05
    rgb_W1 = jax.random.normal(ks[5], (RGB_IN, HIDDEN), dtype=jnp.float32) * 0.05
    rgb_W2 = jax.random.normal(ks[6], (HIDDEN, HIDDEN), dtype=jnp.float32) * 0.05
    rgb_W3 = jax.random.normal(ks[7], (HIDDEN, 3), dtype=jnp.float32) * 0.05
    return {"pos_inputs": pos_inputs, "dir_inputs": dir_inputs, "hash_table": hash_table,
            "pos_W1": pos_W1, "pos_W2": pos_W2,
            "rgb_W1": rgb_W1, "rgb_W2": rgb_W2, "rgb_W3": rgb_W3}


def reference(pos_inputs, dir_inputs, hash_table, pos_W1, pos_W2, rgb_W1, rgb_W2, rgb_W3):
    pos_feat = hash_encode(pos_inputs, hash_table)
    dir_feat = freq_encode(dir_inputs)
    density = jax.nn.relu(pos_feat @ pos_W1) @ pos_W2            # [N,1]
    h = jnp.concatenate([pos_feat, dir_feat], axis=-1)
    h = jax.nn.relu(h @ rgb_W1)
    h = jax.nn.relu(h @ rgb_W2)
    rgb = h @ rgb_W3                                             # [N,3]
    return rgb, density

if __name__ == "__main__":
    import jax
    _d = setup_inputs()
    print(jax.jit(kernel)(*tuple(_d.values())))

</pallas_src>

<mosaic_0001>
#map = affine_map<(d0, d1) -> (0, 0)>
#map1 = affine_map<(d0, d1) -> (0)>
module attributes {stable_mosaic.version = 14 : i64} {
  func.func @k(%arg0: i32, %arg1: i32, %arg2: memref<2097152x8xf32, #tpu.memory_space<hbm>>, %arg3: memref<16777216xi32, #tpu.memory_space<hbm>>, %arg4: memref<16777216xi32, #tpu.memory_space<hbm>>, %arg5: memref<33554432xf32, #tpu.memory_space<hbm>>, %arg6: memref<33554432xf32, #tpu.memory_space<hbm>>, %arg7: memref<4096xi32, #tpu.memory_space<vmem>>, %arg8: memref<4096xi32, #tpu.memory_space<vmem>>, %arg9: memref<4096xi32, #tpu.memory_space<vmem>>, %arg10: memref<4096xi32, #tpu.memory_space<vmem>>, %arg11: memref<4096xi32, #tpu.memory_space<vmem>>, %arg12: memref<4096xi32, #tpu.memory_space<vmem>>, %arg13: memref<4096x8xf32, #tpu.memory_space<vmem>>, %arg14: memref<4096x8xf32, #tpu.memory_space<vmem>>, %arg15: memref<8192xf32, #tpu.memory_space<vmem>>, %arg16: memref<8192xf32, #tpu.memory_space<vmem>>, %arg17: memref<!tpu.dma_semaphore, #tpu.memory_space<semaphore_mem>>, %arg18: memref<!tpu.dma_semaphore, #tpu.memory_space<semaphore_mem>>, %arg19: memref<!tpu.dma_semaphore, #tpu.memory_space<semaphore_mem>>, %arg20: memref<!tpu.dma_semaphore, #tpu.memory_space<semaphore_mem>>, %arg21: memref<!tpu.dma_semaphore, #tpu.memory_space<semaphore_mem>>, %arg22: memref<!tpu.dma_semaphore, #tpu.memory_space<semaphore_mem>>) attributes {dimension_semantics = [#tpu.dimension_semantics<core_parallel>, #tpu.dimension_semantics<subcore_parallel>], iteration_bounds = array<i64: 2, 16>, scalar_prefetch = 0 : i64, scratch_operands = 16 : i64, tpu.core_type = #tpu.core_type<sc_vector_subcore>, window_params = [{transform_indices = #map}, {transform_indices = #map1}, {transform_indices = #map1}, {transform_indices = #map1}, {transform_indices = #map1}]} {
    %mul3A = arith.constant 2 : i32
    %mul3A_0 = arith.muli %arg1, %mul3A : i32
    %add3A = arith.addi %mul3A_0, %arg0 : i32
    %mul3A_1 = arith.constant 524288 : i32
    %mul3A_2 = arith.muli %add3A, %mul3A_1 : i32
    %iota3A = tpu.iota {dimensions = array<i32: 0>} : vector<16xi32>
    %shift_right_arithmetic3A = arith.constant 1 : i32
    %shift_right_arithmetic3A_3 = vector.broadcast %shift_right_arithmetic3A : i32 to vector<16xi32>
    %shift_right_arithmetic3A_4 = arith.shrsi %iota3A, %shift_right_arithmetic3A_3 : vector<16xi32>
    %add3A_5 = arith.constant 8 : i32
    %add3A_6 = vector.broadcast %add3A_5 : i32 to vector<16xi32>
    %add3A_7 = arith.addi %shift_right_arithmetic3A_4, %add3A_6 : vector<16xi32>
    %and3A = arith.constant 1 : i32
    %and3A_8 = vector.broadcast %and3A : i32 to vector<16xi32>
    %and3A_9 = arith.andi %iota3A, %and3A_8 : vector<16xi32>
    %add3A_10 = arith.constant 0 : i32
    %add3A_11 = arith.addi %mul3A_2, %add3A_10 : i32
    %dma_start3A = tpu.memref_slice %arg3[%add3A_11] : memref<16777216xi32, #tpu.memory_space<hbm>> -> memref<4096xi32, #tpu.memory_space<hbm>>
    %dma_start3A_12 = tpu.memref_slice %arg3[%add3A_11] : memref<16777216xi32, #tpu.memory_space<hbm>> -> memref<4096xi32, #tpu.memory_space<hbm>>
    tpu.enqueue_dma source(%dma_start3A_12 : memref<4096xi32, #tpu.memory_space<hbm>>) target(%arg7 : memref<4096xi32, #tpu.memory_space<vmem>>) target_semaphore(%arg17 : memref<!tpu.dma_semaphore, #tpu.memory_space<semaphore_mem>>)
    %add3A_13 = arith.constant 4096 : i32
    %add3A_14 = arith.addi %mul3A_2, %add3A_13 : i32
    %dma_start3A_15 = tpu.memref_slice %arg3[%add3A_14] : memref<16777216xi32, #tpu.memory_space<hbm>> -> memref<4096xi32, #tpu.memory_space<hbm>>
    %dma_start3A_16 = tpu.memref_slice %arg3[%add3A_14] : memref<16777216xi32, #tpu.memory_space<hbm>> -> memref<4096xi32, #tpu.memory_space<hbm>>
    tpu.enqueue_dma source(%dma_start3A_16 : memref<4096xi32, #tpu.memory_space<hbm>>) target(%arg8 : memref<4096xi32, #tpu.memory_space<vmem>>) target_semaphore(%arg18 : memref<!tpu.dma_semaphore, #tpu.memory_space<semaphore_mem>>)
    %scan3A = arith.constant 0 : i32
    %scan3A_17 = arith.constant 64 : i32
    %scan3A_18 = arith.addi %scan3A, %scan3A_17 : i32
    %scan3A_19 = arith.constant 1 : i32
    scf.for %scan3A_97 = %scan3A to %scan3A_18 step %scan3A_19  : i32 {
      %mul3A_98 = arith.constant 2 : i32
      %mul3A_99 = arith.muli %scan3A_97, %mul3A_98 : i32
      %add3A_100 = arith.constant 0 : i32
      %add3A_101 = arith.addi %add3A_100, %mul3A_99 : i32
      %mul3A_102 = arith.constant 4096 : i32
      %mul3A_103 = arith.muli %add3A_101, %mul3A_102 : i32
      %add3A_104 = arith.addi %mul3A_2, %mul3A_103 : i32
      %dma_wait3A_105 = tpu.memref_slice %arg3[%add3A_104] : memref<16777216xi32, #tpu.memory_space<hbm>> -> memref<4096xi32, #tpu.memory_space<hbm>>
      %dma_wait3A_106 = tpu.memref_slice %arg3[%add3A_104] : memref<16777216xi32, #tpu.memory_space<hbm>> -> memref<4096xi32, #tpu.memory_space<hbm>>
      tpu.wait_dma2 semaphore(%arg17 : memref<!tpu.dma_semaphore, #tpu.memory_space<semaphore_mem>>) src(%dma_wait3A_106 : memref<4096xi32, #tpu.memory_space<hbm>>) dst(%arg7 : memref<4096xi32, #tpu.memory_space<vmem>>)
      %scan3A_107 = arith.constant 0 : i32
      %scan3A_108 = arith.constant 256 : i32
      %scan3A_109 = arith.addi %scan3A_107, %scan3A_108 : i32
      %scan3A_110 = arith.constant 1 : i32
      scf.for %scan3A_150 = %scan3A_107 to %scan3A_109 step %scan3A_110  : i32 {
        %mul3A_151 = arith.constant 16 : i32
        %mul3A_152 = arith.muli %scan3A_150, %mul3A_151 : i32
        %add3A_153 = arith.constant 0 : i32
        %add3A_154 = arith.addi %add3A_153, %mul3A_152 : i32
        %get3A = arith.index_cast %add3A_154 : i32 to index
        %get3A_155 = tpu.vector_load %arg7[%get3A] {strides = array<i32>} : memref<4096xi32, #tpu.memory_space<vmem>>, vector<16xi32>,
        %shift_right_arithmetic3A_156 = arith.constant 2 : i32
        %shift_right_arithmetic3A_157 = vector.broadcast %shift_right_arithmetic3A_156 : i32 to vector<16xi32>
        %shift_right_arithmetic3A_158 = arith.shrsi %get3A_155, %shift_right_arithmetic3A_157 : vector<16xi32>
        %swap3A = arith.index_cast %add3A_154 : i32 to index
        %swap3A_159 = tpu.vector_load %arg9[%swap3A] {strides = array<i32>} : memref<4096xi32, #tpu.memory_space<vmem>>, vector<16xi32>,
        tpu.vector_store %arg9[%swap3A], %shift_right_arithmetic3A_158 {strides = array<i32>} : memref<4096xi32, #tpu.memory_space<vmem>>, vector<16xi32>,
        %and3A_160 = arith.constant 3 : i32
        %and3A_161 = vector.broadcast %and3A_160 : i32 to vector<16xi32>
        %and3A_162 = arith.andi %get3A_155, %and3A_161 : vector<16xi32>
        %shift_left3A = arith.constant 1 : i32
        %shift_left3A_163 = vector.broadcast %shift_left3A : i32 to vector<16xi32>
        %shift_left3A_164 = arith.shli %and3A_162, %shift_left3A_163 : vector<16xi32>
        %swap3A_165 = arith.index_cast %add3A_154 : i32 to index
        %swap3A_166 = tpu.vector_load %arg11[%swap3A_165] {strides = array<i32>} : memref<4096xi32, #tpu.memory_space<vmem>>, vector<16xi32>,
        tpu.vector_store %arg11[%swap3A_165], %shift_left3A_164 {strides = array<i32>} : memref<4096xi32, #tpu.memory_space<vmem>>, vector<16xi32>,
      }
      %scan3A_111 = arith.constant 256 : i32
      %dma_start3A_112 = arith.constant 0 : i32
      %dma_start3A_113 = arith.constant 0 : i32
      %dma_start3A_114 = tpu.memref_slice %arg2[%dma_start3A_112, %dma_start3A_113] : memref<2097152x8xf32, #tpu.memory_space<hbm>> -> memref<2097152x8xf32, #tpu.memory_space<hbm>>
      tpu.enqueue_indirect_dma source(%dma_start3A_114 : memref<2097152x8xf32, #tpu.memory_space<hbm>>) target(%arg13 : memref<4096x8xf32, #tpu.memory_space<vmem>>) offsets(%arg9 : memref<4096xi32, #tpu.memory_space<vmem>>) semaphore(%arg19 : memref<!tpu.dma_semaphore, #tpu.memory_space<semaphore_mem>>)
      %add3A_115 = arith.constant 2 : i32
      %add3A_116 = arith.addi %add3A_101, %add3A_115 : i32
      %lt3A = arith.constant 128 : i32
      %lt3A_117 = arith.cmpi slt, %add3A_116, %lt3A : i32
      %convert_element_type3A = arith.extui %lt3A_117 : i1 to i32
      %cond3A = arith.constant 0 : i32
      %cond3A_118 = arith.cmpi ne, %convert_element_type3A, %cond3A : i32
      scf.if %cond3A_118 {
        %add3A_150 = arith.constant 2 : i32
        %add3A_151 = arith.addi %add3A_101, %add3A_150 : i32
        %mul3A_152 = arith.constant 4096 : i32
        %mul3A_153 = arith.muli %add3A_151, %mul3A_152 : i32
        %add3A_154 = arith.addi %mul3A_2, %mul3A_153 : i32
        %dma_start3A_155 = tpu.memref_slice %arg3[%add3A_154] : memref<16777216xi32, #tpu.memory_space<hbm>> -> memref<4096xi32, #tpu.memory_space<hbm>>
        %dma_start3A_156 = tpu.memref_slice %arg3[%add3A_154] : memref<16777216xi32, #tpu.memory_space<hbm>> -> memref<4096xi32, #tpu.memory_space<hbm>>
        tpu.enqueue_dma source(%dma_start3A_156 : memref<4096xi32, #tpu.memory_space<hbm>>) target(%arg7 : memref<4096xi32, #tpu.memory_space<vmem>>) target_semaphore(%arg17 : memref<!tpu.dma_semaphore, #tpu.memory_space<semaphore_mem>>)
      } else {
      }
      %ge3A = arith.constant 1 : i32
      %ge3A_119 = arith.cmpi sge, %add3A_101, %ge3A : i32
      %convert_element_type3A_120 = arith.extui %ge3A_119 : i1 to i32
      %cond3A_121 = arith.constant 0 : i32
      %cond3A_122 = arith.cmpi ne, %convert_element_type3A_120, %cond3A_121 : i32
      scf.if %cond3A_122 {
        %dma_wait3A_150 = arith.constant 0 : i32
        %dma_wait3A_151 = arith.constant 0 : i32
        %dma_wait3A_152 = tpu.memref_slice %arg2[%dma_wait3A_150, %dma_wait3A_151] : memref<2097152x8xf32, #tpu.memory_space<hbm>> -> memref<2097152x8xf32, #tpu.memory_space<hbm>>
        tpu.wait_indirect_dma semaphore(%arg20 : memref<!tpu.dma_semaphore, #tpu.memory_space<semaphore_mem>>) src(%dma_wait3A_152 : memref<2097152x8xf32, #tpu.memory_space<hbm>>) dst(%arg14 : memref<4096x8xf32, #tpu.memory_space<vmem>>)
        %ge3A_153 = arith.constant 3 : i32
        %ge3A_154 = arith.cmpi sge, %add3A_101, %ge3A_153 : i32
        %convert_element_type3A_155 = arith.extui %ge3A_154 : i1 to i32
        %cond3A_156 = arith.constant 0 : i32
        %cond3A_157 = arith.cmpi ne, %convert_element_type3A_155, %cond3A_156 : i32
        scf.if %cond3A_157 {
          %sub3A_171 = arith.constant 3 : i32
          %sub3A_172 = arith.subi %add3A_101, %sub3A_171 : i32
          %mul3A_173 = arith.constant 4096 : i32
          %mul3A_174 = arith.muli %sub3A_172, %mul3A_173 : i32
          %add3A_175 = arith.addi %mul3A_2, %mul3A_174 : i32
          %mul3A_176 = arith.constant 2 : i32
          %mul3A_177 = arith.muli %mul3A_176, %add3A_175 : i32
          %dma_wait3A_178 = tpu.memref_slice %arg5[%mul3A_177] : memref<33554432xf32, #tpu.memory_space<hbm>> -> memref<8192xf32, #tpu.memory_space<hbm>>
          %dma_wait3A_179 = tpu.memref_slice %arg5[%mul3A_177] : memref<33554432xf32, #tpu.memory_space<hbm>> -> memref<8192xf32, #tpu.memory_space<hbm>>
          tpu.wait_dma2 semaphore(%arg22 : memref<!tpu.dma_semaphore, #tpu.memory_space<semaphore_mem>>) src(%arg16 : memref<8192xf32, #tpu.memory_space<vmem>>) dst(%dma_wait3A_179 : memref<8192xf32, #tpu.memory_space<hbm>>)
        } else {
        }
        %scan3A_158 = arith.constant 0 : i32
        %scan3A_159 = arith.constant 256 : i32
        %scan3A_160 = arith.addi %scan3A_158, %scan3A_159 : i32
        %scan3A_161 = arith.constant 1 : i32
        scf.for %scan3A_171 = %scan3A_158 to %scan3A_160 step %scan3A_161  : i32 {
          %mul3A_172 = arith.constant 16 : i32
          %mul3A_173 = arith.muli %scan3A_171, %mul3A_172 : i32
          %add3A_174 = arith.constant 0 : i32
          %add3A_175 = arith.addi %add3A_174, %mul3A_173 : i32
          %get3A = arith.index_cast %add3A_175 : i32 to index
          %get3A_176 = tpu.vector_load %arg12[%get3A] {strides = array<i32>} : memref<4096xi32, #tpu.memory_space<vmem>>, vector<16xi32>,
          %broadcast_in_dim3A = vector.shape_cast %shift_right_arithmetic3A_4 : vector<16xi32> to vector<16x1xi32>
          %gather3A = vector.shape_cast %broadcast_in_dim3A : vector<16x1xi32> to vector<16xi32>
          %gather3A_177 = tpu.dynamic_gather %get3A_176[%gather3A] in [0] : vector<16xi32>, vector<16xi32> -> vector<16xi32>
          %add3A_178 = arith.addi %gather3A_177, %and3A_9 : vector<16xi32>
          %add3A_179 = vector.broadcast %add3A_175 : i32 to vector<16xi32>
          %add3A_180 = arith.addi %add3A_179, %shift_right_arithmetic3A_4 : vector<16xi32>
          %gather3A_181 = tpu.vector_load_idx %arg14[%add3A_180, %add3A_178] : memref<4096x8xf32, #tpu.memory_space<vmem>>[vector<16xi32>, vector<16xi32>], vector<16xf32>,
          %mul3A_182 = arith.constant 2 : i32
          %mul3A_183 = arith.muli %mul3A_182, %add3A_175 : i32
          %add3A_184 = arith.constant 0 : i32
          %add3A_185 = arith.addi %mul3A_183, %add3A_184 : i32
          %swap3A = arith.index_cast %add3A_185 : i32 to index
          %swap3A_186 = tpu.vector_load %arg16[%swap3A] {strides = array<i32>} : memref<8192xf32, #tpu.memory_space<vmem>>, vector<16xf32>,
          tpu.vector_store %arg16[%swap3A], %gather3A_181 {strides = array<i32>} : memref<8192xf32, #tpu.memory_space<vmem>>, vector<16xf32>,
          %broadcast_in_dim3A_187 = vector.shape_cast %add3A_7 : vector<16xi32> to vector<16x1xi32>
          %gather3A_188 = vector.shape_cast %broadcast_in_dim3A_187 : vector<16x1xi32> to vector<16xi32>
          %gather3A_189 = tpu.dynamic_gather %get3A_176[%gather3A_188] in [0] : vector<16xi32>, vector<16xi32> -> vector<16xi32>
          %add3A_190 = arith.addi %gather3A_189, %and3A_9 : vector<16xi32>
          %add3A_191 = vector.broadcast %add3A_175 : i32 to vector<16xi32>
          %add3A_192 = arith.addi %add3A_191, %add3A_7 : vector<16xi32>
          %gather3A_193 = tpu.vector_load_idx %arg14[%add3A_192, %add3A_190] : memref<4096x8xf32, #tpu.memory_space<vmem>>[vector<16xi32>, vector<16xi32>], vector<16xf32>,
          %mul3A_194 = arith.constant 2 : i32
          %mul3A_195 = arith.muli %mul3A_194, %add3A_175 : i32
          %add3A_196 = arith.constant 16 : i32
          %add3A_197 = arith.addi %mul3A_195, %add3A_196 : i32
          %swap3A_198 = arith.index_cast %add3A_197 : i32 to index
          %swap3A_199 = tpu.vector_load %arg16[%swap3A_198] {strides = array<i32>} : memref<8192xf32, #tpu.memory_space<vmem>>, vector<16xf32>,
          tpu.vector_store %arg16[%swap3A_198], %gather3A_193 {strides = array<i32>} : memref<8192xf32, #tpu.memory_space<vmem>>, vector<16xf32>,
        }
        %scan3A_162 = arith.constant 256 : i32
        %sub3A = arith.constant 1 : i32
        %sub3A_163 = arith.subi %add3A_101, %sub3A : i32
        %mul3A_164 = arith.constant 4096 : i32
        %mul3A_165 = arith.muli %sub3A_163, %mul3A_164 : i32
        %add3A_166 = arith.addi %mul3A_2, %mul3A_165 : i32
        %mul3A_167 = arith.constant 2 : i32
        %mul3A_168 = arith.muli %mul3A_167, %add3A_166 : i32
        %dma_start3A_169 = tpu.memref_slice %arg5[%mul3A_168] : memref<33554432xf32, #tpu.memory_space<hbm>> -> memref<8192xf32, #tpu.memory_space<hbm>>
        %dma_start3A_170 = tpu.memref_slice %arg5[%mul3A_168] : memref<33554432xf32, #tpu.memory_space<hbm>> -> memref<8192xf32, #tpu.memory_space<hbm>>
        tpu.enqueue_dma source(%arg16 : memref<8192xf32, #tpu.memory_space<vmem>>) target(%dma_start3A_170 : memref<8192xf32, #tpu.memory_space<hbm>>) target_semaphore(%arg22 : memref<!tpu.dma_semaphore, #tpu.memory_space<semaphore_mem>>)
      } else {
      }
      %add3A_123 = arith.constant 1 : i32
      %add3A_124 = arith.addi %add3A_101, %add3A_123 : i32
      %mul3A_125 = arith.constant 4096 : i32
      %mul3A_126 = arith.muli %add3A_124, %mul3A_125 : i32
      %add3A_127 = arith.addi %mul3A_2, %mul3A_126 : i32
      %dma_wait3A_128 = tpu.memref_slice %arg3[%add3A_127] : memref<16777216xi32, #tpu.memory_space<hbm>> -> memref<4096xi32, #tpu.memory_space<hbm>>
      %dma_wait3A_129 = tpu.memref_slice %arg3[%add3A_127] : memref<16777216xi32, #tpu.memory_space<hbm>> -> memref<4096xi32, #tpu.memory_space<hbm>>
      tpu.wait_dma2 semaphore(%arg18 : memref<!tpu.dma_semaphore, #tpu.memory_space<semaphore_mem>>) src(%dma_wait3A_129 : memref<4096xi32, #tpu.memory_space<hbm>>) dst(%arg8 : memref<4096xi32, #tpu.memory_space<vmem>>)
      %scan3A_130 = arith.constant 0 : i32
      %scan3A_131 = arith.constant 256 : i32
      %scan3A_132 = arith.addi %scan3A_130, %scan3A_131 : i32
      %scan3A_133 = arith.constant 1 : i32
      scf.for %scan3A_150 = %scan3A_130 to %scan3A_132 step %scan3A_133  : i32 {
        %mul3A_151 = arith.constant 16 : i32
        %mul3A_152 = arith.muli %scan3A_150, %mul3A_151 : i32
        %add3A_153 = arith.constant 0 : i32
        %add3A_154 = arith.addi %add3A_153, %mul3A_152 : i32
        %get3A = arith.index_cast %add3A_154 : i32 to index
        %get3A_155 = tpu.vector_load %arg8[%get3A] {strides = array<i32>} : memref<4096xi32, #tpu.memory_space<vmem>>, vector<16xi32>,
        %shift_right_arithmetic3A_156 = arith.constant 2 : i32
        %shift_right_arithmetic3A_157 = vector.broadcast %shift_right_arithmetic3A_156 : i32 to vector<16xi32>
        %shift_right_arithmetic3A_158 = arith.shrsi %get3A_155, %shift_right_arithmetic3A_157 : vector<16xi32>
        %swap3A = arith.index_cast %add3A_154 : i32 to index
        %swap3A_159 = tpu.vector_load %arg10[%swap3A] {strides = array<i32>} : memref<4096xi32, #tpu.memory_space<vmem>>, vector<16xi32>,
        tpu.vector_store %arg10[%swap3A], %shift_right_arithmetic3A_158 {strides = array<i32>} : memref<4096xi32, #tpu.memory_space<vmem>>, vector<16xi32>,
        %and3A_160 = arith.constant 3 : i32
        %and3A_161 = vector.broadcast %and3A_160 : i32 to vector<16xi32>
        %and3A_162 = arith.andi %get3A_155, %and3A_161 : vector<16xi32>
        %shift_left3A = arith.constant 1 : i32
        %shift_left3A_163 = vector.broadcast %shift_left3A : i32 to vector<16xi32>
        %shift_left3A_164 = arith.shli %and3A_162, %shift_left3A_163 : vector<16xi32>
        %swap3A_165 = arith.index_cast %add3A_154 : i32 to index
        %swap3A_166 = tpu.vector_load %arg12[%swap3A_165] {strides = array<i32>} : memref<4096xi32, #tpu.memory_space<vmem>>, vector<16xi32>,
        tpu.vector_store %arg12[%swap3A_165], %shift_left3A_164 {strides = array<i32>} : memref<4096xi32, #tpu.memory_space<vmem>>, vector<16xi32>,
      }
      %scan3A_134 = arith.constant 256 : i32
      %dma_start3A_135 = arith.constant 0 : i32
      %dma_start3A_136 = arith.constant 0 : i32
      %dma_start3A_137 = tpu.memref_slice %arg2[%dma_start3A_135, %dma_start3A_136] : memref<2097152x8xf32, #tpu.memory_space<hbm>> -> memref<2097152x8xf32, #tpu.memory_space<hbm>>
      tpu.enqueue_indirect_dma source(%dma_start3A_137 : memref<2097152x8xf32, #tpu.memory_space<hbm>>) target(%arg14 : memref<4096x8xf32, #tpu.memory_space<vmem>>) offsets(%arg10 : memref<4096xi32, #tpu.memory_space<vmem>>) semaphore(%arg20 : memref<!tpu.dma_semaphore, #tpu.memory_space<semaphore_mem>>)
      %add3A_138 = arith.constant 2 : i32
      %add3A_139 = arith.addi %add3A_124, %add3A_138 : i32
      %lt3A_140 = arith.constant 128 : i32
      %lt3A_141 = arith.cmpi slt, %add3A_139, %lt3A_140 : i32
      %convert_element_type3A_142 = arith.extui %lt3A_141 : i1 to i32
      %cond3A_143 = arith.constant 0 : i32
      %cond3A_144 = arith.cmpi ne, %convert_element_type3A_142, %cond3A_143 : i32
      scf.if %cond3A_144 {
        %add3A_150 = arith.constant 2 : i32
        %add3A_151 = arith.addi %add3A_124, %add3A_150 : i32
        %mul3A_152 = arith.constant 4096 : i32
        %mul3A_153 = arith.muli %add3A_151, %mul3A_152 : i32
        %add3A_154 = arith.addi %mul3A_2, %mul3A_153 : i32
        %dma_start3A_155 = tpu.memref_slice %arg3[%add3A_154] : memref<16777216xi32, #tpu.memory_space<hbm>> -> memref<4096xi32, #tpu.memory_space<hbm>>
        %dma_start3A_156 = tpu.memref_slice %arg3[%add3A_154] : memref<16777216xi32, #tpu.memory_space<hbm>> -> memref<4096xi32, #tpu.memory_space<hbm>>
        tpu.enqueue_dma source(%dma_start3A_156 : memref<4096xi32, #tpu.memory_space<hbm>>) target(%arg8 : memref<4096xi32, #tpu.memory_space<vmem>>) target_semaphore(%arg18 : memref<!tpu.dma_semaphore, #tpu.memory_space<semaphore_mem>>)
      } else {
      }
      %ge3A_145 = arith.constant 1 : i32
      %ge3A_146 = arith.cmpi sge, %add3A_124, %ge3A_145 : i32
      %convert_element_type3A_147 = arith.extui %ge3A_146 : i1 to i32
      %cond3A_148 = arith.constant 0 : i32
      %cond3A_149 = arith.cmpi ne, %convert_element_type3A_147, %cond3A_148 : i32
      scf.if %cond3A_149 {
        %dma_wait3A_150 = arith.constant 0 : i32
        %dma_wait3A_151 = arith.constant 0 : i32
        %dma_wait3A_152 = tpu.memref_slice %arg2[%dma_wait3A_150, %dma_wait3A_151] : memref<2097152x8xf32, #tpu.memory_space<hbm>> -> memref<2097152x8xf32, #tpu.memory_space<hbm>>
        tpu.wait_indirect_dma semaphore(%arg19 : memref<!tpu.dma_semaphore, #tpu.memory_space<semaphore_mem>>) src(%dma_wait3A_152 : memref<2097152x8xf32, #tpu.memory_space<hbm>>) dst(%arg13 : memref<4096x8xf32, #tpu.memory_space<vmem>>)
        %ge3A_153 = arith.constant 3 : i32
        %ge3A_154 = arith.cmpi sge, %add3A_124, %ge3A_153 : i32
        %convert_element_type3A_155 = arith.extui %ge3A_154 : i1 to i32
        %cond3A_156 = arith.constant 0 : i32
        %cond3A_157 = arith.cmpi ne, %convert_element_type3A_155, %cond3A_156 : i32
        scf.if %cond3A_157 {
          %sub3A_171 = arith.constant 3 : i32
          %sub3A_172 = arith.subi %add3A_124, %sub3A_171 : i32
          %mul3A_173 = arith.constant 4096 : i32
          %mul3A_174 = arith.muli %sub3A_172, %mul3A_173 : i32
          %add3A_175 = arith.addi %mul3A_2, %mul3A_174 : i32
          %mul3A_176 = arith.constant 2 : i32
          %mul3A_177 = arith.muli %mul3A_176, %add3A_175 : i32
          %dma_wait3A_178 = tpu.memref_slice %arg5[%mul3A_177] : memref<33554432xf32, #tpu.memory_space<hbm>> -> memref<8192xf32, #tpu.memory_space<hbm>>
          %dma_wait3A_179 = tpu.memref_slice %arg5[%mul3A_177] : memref<33554432xf32, #tpu.memory_space<hbm>> -> memref<8192xf32, #tpu.memory_space<hbm>>
          tpu.wait_dma2 semaphore(%arg21 : memref<!tpu.dma_semaphore, #tpu.memory_space<semaphore_mem>>) src(%arg15 : memref<8192xf32, #tpu.memory_space<vmem>>) dst(%dma_wait3A_179 : memref<8192xf32, #tpu.memory_space<hbm>>)
        } else {
        }
        %scan3A_158 = arith.constant 0 : i32
        %scan3A_159 = arith.constant 256 : i32
        %scan3A_160 = arith.addi %scan3A_158, %scan3A_159 : i32
        %scan3A_161 = arith.constant 1 : i32
        scf.for %scan3A_171 = %scan3A_158 to %scan3A_160 step %scan3A_161  : i32 {
          %mul3A_172 = arith.constant 16 : i32
          %mul3A_173 = arith.muli %scan3A_171, %mul3A_172 : i32
          %add3A_174 = arith.constant 0 : i32
          %add3A_175 = arith.addi %add3A_174, %mul3A_173 : i32
          %get3A = arith.index_cast %add3A_175 : i32 to index
          %get3A_176 = tpu.vector_load %arg11[%get3A] {strides = array<i32>} : memref<4096xi32, #tpu.memory_space<vmem>>, vector<16xi32>,
          %broadcast_in_dim3A = vector.shape_cast %shift_right_arithmetic3A_4 : vector<16xi32> to vector<16x1xi32>
          %gather3A = vector.shape_cast %broadcast_in_dim3A : vector<16x1xi32> to vector<16xi32>
          %gather3A_177 = tpu.dynamic_gather %get3A_176[%gather3A] in [0] : vector<16xi32>, vector<16xi32> -> vector<16xi32>
          %add3A_178 = arith.addi %gather3A_177, %and3A_9 : vector<16xi32>
          %add3A_179 = vector.broadcast %add3A_175 : i32 to vector<16xi32>
          %add3A_180 = arith.addi %add3A_179, %shift_right_arithmetic3A_4 : vector<16xi32>
          %gather3A_181 = tpu.vector_load_idx %arg13[%add3A_180, %add3A_178] : memref<4096x8xf32, #tpu.memory_space<vmem>>[vector<16xi32>, vector<16xi32>], vector<16xf32>,
          %mul3A_182 = arith.constant 2 : i32
          %mul3A_183 = arith.muli %mul3A_182, %add3A_175 : i32
          %add3A_184 = arith.constant 0 : i32
          %add3A_185 = arith.addi %mul3A_183, %add3A_184 : i32
          %swap3A = arith.index_cast %add3A_185 : i32 to index
          %swap3A_186 = tpu.vector_load %arg15[%swap3A] {strides = array<i32>} : memref<8192xf32, #tpu.memory_space<vmem>>, vector<16xf32>,
          tpu.vector_store %arg15[%swap3A], %gather3A_181 {strides = array<i32>} : memref<8192xf32, #tpu.memory_space<vmem>>, vector<16xf32>,
          %broadcast_in_dim3A_187 = vector.shape_cast %add3A_7 : vector<16xi32> to vector<16x1xi32>
          %gather3A_188 = vector.shape_cast %broadcast_in_dim3A_187 : vector<16x1xi32> to vector<16xi32>
          %gather3A_189 = tpu.dynamic_gather %get3A_176[%gather3A_188] in [0] : vector<16xi32>, vector<16xi32> -> vector<16xi32>
          %add3A_190 = arith.addi %gather3A_189, %and3A_9 : vector<16xi32>
          %add3A_191 = vector.broadcast %add3A_175 : i32 to vector<16xi32>
          %add3A_192 = arith.addi %add3A_191, %add3A_7 : vector<16xi32>
          %gather3A_193 = tpu.vector_load_idx %arg13[%add3A_192, %add3A_190] : memref<4096x8xf32, #tpu.memory_space<vmem>>[vector<16xi32>, vector<16xi32>], vector<16xf32>,
          %mul3A_194 = arith.constant 2 : i32
          %mul3A_195 = arith.muli %mul3A_194, %add3A_175 : i32
          %add3A_196 = arith.constant 16 : i32
          %add3A_197 = arith.addi %mul3A_195, %add3A_196 : i32
          %swap3A_198 = arith.index_cast %add3A_197 : i32 to index
          %swap3A_199 = tpu.vector_load %arg15[%swap3A_198] {strides = array<i32>} : memref<8192xf32, #tpu.memory_space<vmem>>, vector<16xf32>,
          tpu.vector_store %arg15[%swap3A_198], %gather3A_193 {strides = array<i32>} : memref<8192xf32, #tpu.memory_space<vmem>>, vector<16xf32>,
        }
        %scan3A_162 = arith.constant 256 : i32
        %sub3A = arith.constant 1 : i32
        %sub3A_163 = arith.subi %add3A_124, %sub3A : i32
        %mul3A_164 = arith.constant 4096 : i32
        %mul3A_165 = arith.muli %sub3A_163, %mul3A_164 : i32
        %add3A_166 = arith.addi %mul3A_2, %mul3A_165 : i32
        %mul3A_167 = arith.constant 2 : i32
        %mul3A_168 = arith.muli %mul3A_167, %add3A_166 : i32
        %dma_start3A_169 = tpu.memref_slice %arg5[%mul3A_168] : memref<33554432xf32, #tpu.memory_space<hbm>> -> memref<8192xf32, #tpu.memory_space<hbm>>
        %dma_start3A_170 = tpu.memref_slice %arg5[%mul3A_168] : memref<33554432xf32, #tpu.memory_space<hbm>> -> memref<8192xf32, #tpu.memory_space<hbm>>
        tpu.enqueue_dma source(%arg15 : memref<8192xf32, #tpu.memory_space<vmem>>) target(%dma_start3A_170 : memref<8192xf32, #tpu.memory_space<hbm>>) target_semaphore(%arg21 : memref<!tpu.dma_semaphore, #tpu.memory_space<semaphore_mem>>)
      } else {
      }
    }
    %scan3A_20 = arith.constant 64 : i32
    %dma_wait3A = arith.constant 0 : i32
    %dma_wait3A_21 = arith.constant 0 : i32
    %dma_wait3A_22 = tpu.memref_slice %arg2[%dma_wait3A, %dma_wait3A_21] : memref<2097152x8xf32, #tpu.memory_space<hbm>> -> memref<2097152x8xf32, #tpu.memory_space<hbm>>
    tpu.wait_indirect_dma semaphore(%arg20 : memref<!tpu.dma_semaphore, #tpu.memory_space<semaphore_mem>>) src(%dma_wait3A_22 : memref<2097152x8xf32, #tpu.memory_space<hbm>>) dst(%arg14 : memref<4096x8xf32, #tpu.memory_space<vmem>>)
    %add3A_23 = arith.constant 512000 : i32
    %add3A_24 = arith.addi %mul3A_2, %add3A_23 : i32
    %mul3A_25 = arith.constant 2 : i32
    %mul3A_26 = arith.muli %mul3A_25, %add3A_24 : i32
    %dma_wait3A_27 = tpu.memref_slice %arg5[%mul3A_26] : memref<33554432xf32, #tpu.memory_space<hbm>> -> memref<8192xf32, #tpu.memory_space<hbm>>
    %dma_wait3A_28 = tpu.memref_slice %arg5[%mul3A_26] : memref<33554432xf32, #tpu.memory_space<hbm>> -> memref<8192xf32, #tpu.memory_space<hbm>>
    tpu.wait_dma2 semaphore(%arg22 : memref<!tpu.dma_semaphore, #tpu.memory_space<semaphore_mem>>) src(%arg16 : memref<8192xf32, #tpu.memory_space<vmem>>) dst(%dma_wait3A_28 : memref<8192xf32, #tpu.memory_space<hbm>>)
    %scan3A_29 = arith.constant 0 : i32
    %scan3A_30 = arith.constant 256 : i32
    %scan3A_31 = arith.addi %scan3A_29, %scan3A_30 : i32
    %scan3A_32 = arith.constant 1 : i32
    scf.for %scan3A_97 = %scan3A_29 to %scan3A_31 step %scan3A_32  : i32 {
      %mul3A_98 = arith.constant 16 : i32
      %mul3A_99 = arith.muli %scan3A_97, %mul3A_98 : i32
      %add3A_100 = arith.constant 0 : i32
      %add3A_101 = arith.addi %add3A_100, %mul3A_99 : i32
      %get3A = arith.index_cast %add3A_101 : i32 to index
      %get3A_102 = tpu.vector_load %arg12[%get3A] {strides = array<i32>} : memref<4096xi32, #tpu.memory_space<vmem>>, vector<16xi32>,
      %broadcast_in_dim3A = vector.shape_cast %shift_right_arithmetic3A_4 : vector<16xi32> to vector<16x1xi32>
      %gather3A = vector.shape_cast %broadcast_in_dim3A : vector<16x1xi32> to vector<16xi32>
      %gather3A_103 = tpu.dynamic_gather %get3A_102[%gather3A] in [0] : vector<16xi32>, vector<16xi32> -> vector<16xi32>
      %add3A_104 = arith.addi %gather3A_103, %and3A_9 : vector<16xi32>
      %add3A_105 = vector.broadcast %add3A_101 : i32 to vector<16xi32>
      %add3A_106 = arith.addi %add3A_105, %shift_right_arithmetic3A_4 : vector<16xi32>
      %gather3A_107 = tpu.vector_load_idx %arg14[%add3A_106, %add3A_104] : memref<4096x8xf32, #tpu.memory_space<vmem>>[vector<16xi32>, vector<16xi32>], vector<16xf32>,
      %mul3A_108 = arith.constant 2 : i32
      %mul3A_109 = arith.muli %mul3A_108, %add3A_101 : i32
      %add3A_110 = arith.constant 0 : i32
      %add3A_111 = arith.addi %mul3A_109, %add3A_110 : i32
      %swap3A = arith.index_cast %add3A_111 : i32 to index
      %swap3A_112 = tpu.vector_load %arg16[%swap3A] {strides = array<i32>} : memref<8192xf32, #tpu.memory_space<vmem>>, vector<16xf32>,
      tpu.vector_store %arg16[%swap3A], %gather3A_107 {strides = array<i32>} : memref<8192xf32, #tpu.memory_space<vmem>>, vector<16xf32>,
      %broadcast_in_dim3A_113 = vector.shape_cast %add3A_7 : vector<16xi32> to vector<16x1xi32>
      %gather3A_114 = vector.shape_cast %broadcast_in_dim3A_113 : vector<16x1xi32> to vector<16xi32>
      %gather3A_115 = tpu.dynamic_gather %get3A_102[%gather3A_114] in [0] : vector<16xi32>, vector<16xi32> -> vector<16xi32>
      %add3A_116 = arith.addi %gather3A_115, %and3A_9 : vector<16xi32>
      %add3A_117 = vector.broadcast %add3A_101 : i32 to vector<16xi32>
      %add3A_118 = arith.addi %add3A_117, %add3A_7 : vector<16xi32>
      %gather3A_119 = tpu.vector_load_idx %arg14[%add3A_118, %add3A_116] : memref<4096x8xf32, #tpu.memory_space<vmem>>[vector<16xi32>, vector<16xi32>], vector<16xf32>,
      %mul3A_120 = arith.constant 2 : i32
      %mul3A_121 = arith.muli %mul3A_120, %add3A_101 : i32
      %add3A_122 = arith.constant 16 : i32
      %add3A_123 = arith.addi %mul3A_121, %add3A_122 : i32
      %swap3A_124 = arith.index_cast %add3A_123 : i32 to index
      %swap3A_125 = tpu.vector_load %arg16[%swap3A_124] {strides = array<i32>} : memref<8192xf32, #tpu.memory_space<vmem>>, vector<16xf32>,
      tpu.vector_store %arg16[%swap3A_124], %gather3A_119 {strides = array<i32>} : memref<8192xf32, #tpu.memory_space<vmem>>, vector<16xf32>,
    }
    %scan3A_33 = arith.constant 256 : i32
    %add3A_34 = arith.constant 520192 : i32
    %add3A_35 = arith.addi %mul3A_2, %add3A_34 : i32
    %mul3A_36 = arith.constant 2 : i32
    %mul3A_37 = arith.muli %mul3A_36, %add3A_35 : i32
    %dma_start3A_38 = tpu.memref_slice %arg5[%mul3A_37] : memref<33554432xf32, #tpu.memory_space<hbm>> -> memref<8192xf32, #tpu.memory_space<hbm>>
    %dma_start3A_39 = tpu.memref_slice %arg5[%mul3A_37] : memref<33554432xf32, #tpu.memory_space<hbm>> -> memref<8192xf32, #tpu.memory_space<hbm>>
    tpu.enqueue_dma source(%arg16 : memref<8192xf32, #tpu.memory_space<vmem>>) target(%dma_start3A_39 : memref<8192xf32, #tpu.memory_space<hbm>>) target_semaphore(%arg22 : memref<!tpu.dma_semaphore, #tpu.memory_space<semaphore_mem>>)
    %add3A_40 = arith.constant 516096 : i32
    %add3A_41 = arith.addi %mul3A_2, %add3A_40 : i32
    %mul3A_42 = arith.constant 2 : i32
    %mul3A_43 = arith.muli %mul3A_42, %add3A_41 : i32
    %dma_wait3A_44 = tpu.memref_slice %arg5[%mul3A_43] : memref<33554432xf32, #tpu.memory_space<hbm>> -> memref<8192xf32, #tpu.memory_space<hbm>>
    %dma_wait3A_45 = tpu.memref_slice %arg5[%mul3A_43] : memref<33554432xf32, #tpu.memory_space<hbm>> -> memref<8192xf32, #tpu.memory_space<hbm>>
    tpu.wait_dma2 semaphore(%arg21 : memref<!tpu.dma_semaphore, #tpu.memory_space<semaphore_mem>>) src(%arg15 : memref<8192xf32, #tpu.memory_space<vmem>>) dst(%dma_wait3A_45 : memref<8192xf32, #tpu.memory_space<hbm>>)
    %add3A_46 = arith.constant 520192 : i32
    %add3A_47 = arith.addi %mul3A_2, %add3A_46 : i32
    %mul3A_48 = arith.constant 2 : i32
    %mul3A_49 = arith.muli %mul3A_48, %add3A_47 : i32
    %dma_wait3A_50 = tpu.memref_slice %arg5[%mul3A_49] : memref<33554432xf32, #tpu.memory_space<hbm>> -> memref<8192xf32, #tpu.memory_space<hbm>>
    %dma_wait3A_51 = tpu.memref_slice %arg5[%mul3A_49] : memref<33554432xf32, #tpu.memory_space<hbm>> -> memref<8192xf32, #tpu.memory_space<hbm>>
    tpu.wait_dma2 semaphore(%arg22 : memref<!tpu.dma_semaphore, #tpu.memory_space<semaphore_mem>>) src(%arg16 : memref<8192xf32, #tpu.memory_space<vmem>>) dst(%dma_wait3A_51 : memref<8192xf32, #tpu.memory_space<hbm>>)
    %add3A_52 = arith.constant 0 : i32
    %add3A_53 = arith.addi %mul3A_2, %add3A_52 : i32
    %dma_start3A_54 = tpu.memref_slice %arg4[%add3A_53] : memref<16777216xi32, #tpu.memory_space<hbm>> -> memref<4096xi32, #tpu.memory_space<hbm>>
    %dma_start3A_55 = tpu.memref_slice %arg4[%add3A_53] : memref<16777216xi32, #tpu.memory_space<hbm>> -> memref<4096xi32, #tpu.memory_space<hbm>>
    tpu.enqueue_dma source(%dma_start3A_55 : memref<4096xi32, #tpu.memory_space<hbm>>) target(%arg7 : memref<4096xi32, #tpu.memory_space<vmem>>) target_semaphore(%arg17 : memref<!tpu.dma_semaphore, #tpu.memory_space<semaphore_mem>>)
    %add3A_56 = arith.constant 4096 : i32
    %add3A_57 = arith.addi %mul3A_2, %add3A_56 : i32
    %dma_start3A_58 = tpu.memref_slice %arg4[%add3A_57] : memref<16777216xi32, #tpu.memory_space<hbm>> -> memref<4096xi32, #tpu.memory_space<hbm>>
    %dma_start3A_59 = tpu.memref_slice %arg4[%add3A_57] : memref<16777216xi32, #tpu.memory_space<hbm>> -> memref<4096xi32, #tpu.memory_space<hbm>>
    tpu.enqueue_dma source(%dma_start3A_59 : memref<4096xi32, #tpu.memory_space<hbm>>) target(%arg8 : memref<4096xi32, #tpu.memory_space<vmem>>) target_semaphore(%arg18 : memref<!tpu.dma_semaphore, #tpu.memory_space<semaphore_mem>>)
    %scan3A_60 = arith.constant 0 : i32
    %scan3A_61 = arith.constant 64 : i32
    %scan3A_62 = arith.addi %scan3A_60, %scan3A_61 : i32
    %scan3A_63 = arith.constant 1 : i32
    scf.for %scan3A_97 = %scan3A_60 to %scan3A_62 step %scan3A_63  : i32 {
      %mul3A_98 = arith.constant 2 : i32
      %mul3A_99 = arith.muli %scan3A_97, %mul3A_98 : i32
      %add3A_100 = arith.constant 0 : i32
      %add3A_101 = arith.addi %add3A_100, %mul3A_99 : i32
      %mul3A_102 = arith.constant 4096 : i32
      %mul3A_103 = arith.muli %add3A_101, %mul3A_102 : i32
      %add3A_104 = arith.addi %mul3A_2, %mul3A_103 : i32
      %dma_wait3A_105 = tpu.memref_slice %arg4[%add3A_104] : memref<16777216xi32, #tpu.memory_space<hbm>> -> memref<4096xi32, #tpu.memory_space<hbm>>
      %dma_wait3A_106 = tpu.memref_slice %arg4[%add3A_104] : memref<16777216xi32, #tpu.memory_space<hbm>> -> memref<4096xi32, #tpu.memory_space<hbm>>
      tpu.wait_dma2 semaphore(%arg17 : memref<!tpu.dma_semaphore, #tpu.memory_space<semaphore_mem>>) src(%dma_wait3A_106 : memref<4096xi32, #tpu.memory_space<hbm>>) dst(%arg7 : memref<4096xi32, #tpu.memory_space<vmem>>)
      %scan3A_107 = arith.constant 0 : i32
      %scan3A_108 = arith.constant 256 : i32
      %scan3A_109 = arith.addi %scan3A_107, %scan3A_108 : i32
      %scan3A_110 = arith.constant 1 : i32
      scf.for %scan3A_150 = %scan3A_107 to %scan3A_109 step %scan3A_110  : i32 {
        %mul3A_151 = arith.constant 16 : i32
        %mul3A_152 = arith.muli %scan3A_150, %mul3A_151 : i32
        %add3A_153 = arith.constant 0 : i32
        %add3A_154 = arith.addi %add3A_153, %mul3A_152 : i32
        %get3A = arith.index_cast %add3A_154 : i32 to index
        %get3A_155 = tpu.vector_load %arg7[%get3A] {strides = array<i32>} : memref<4096xi32, #tpu.memory_space<vmem>>, vector<16xi32>,
        %shift_right_arithmetic3A_156 = arith.constant 2 : i32
        %shift_right_arithmetic3A_157 = vector.broadcast %shift_right_arithmetic3A_156 : i32 to vector<16xi32>
        %shift_right_arithmetic3A_158 = arith.shrsi %get3A_155, %shift_right_arithmetic3A_157 : vector<16xi32>
        %swap3A = arith.index_cast %add3A_154 : i32 to index
        %swap3A_159 = tpu.vector_load %arg9[%swap3A] {strides = array<i32>} : memref<4096xi32, #tpu.memory_space<vmem>>, vector<16xi32>,
        tpu.vector_store %arg9[%swap3A], %shift_right_arithmetic3A_158 {strides = array<i32>} : memref<4096xi32, #tpu.memory_space<vmem>>, vector<16xi32>,
        %and3A_160 = arith.constant 3 : i32
        %and3A_161 = vector.broadcast %and3A_160 : i32 to vector<16xi32>
        %and3A_162 = arith.andi %get3A_155, %and3A_161 : vector<16xi32>
        %shift_left3A = arith.constant 1 : i32
        %shift_left3A_163 = vector.broadcast %shift_left3A : i32 to vector<16xi32>
        %shift_left3A_164 = arith.shli %and3A_162, %shift_left3A_163 : vector<16xi32>
        %swap3A_165 = arith.index_cast %add3A_154 : i32 to index
        %swap3A_166 = tpu.vector_load %arg11[%swap3A_165] {strides = array<i32>} : memref<4096xi32, #tpu.memory_space<vmem>>, vector<16xi32>,
        tpu.vector_store %arg11[%swap3A_165], %shift_left3A_164 {strides = array<i32>} : memref<4096xi32, #tpu.memory_space<vmem>>, vector<16xi32>,
      }
      %scan3A_111 = arith.constant 256 : i32
      %dma_start3A_112 = arith.constant 0 : i32
      %dma_start3A_113 = arith.constant 0 : i32
      %dma_start3A_114 = tpu.memref_slice %arg2[%dma_start3A_112, %dma_start3A_113] : memref<2097152x8xf32, #tpu.memory_space<hbm>> -> memref<2097152x8xf32, #tpu.memory_space<hbm>>
      tpu.enqueue_indirect_dma source(%dma_start3A_114 : memref<2097152x8xf32, #tpu.memory_space<hbm>>) target(%arg13 : memref<4096x8xf32, #tpu.memory_space<vmem>>) offsets(%arg9 : memref<4096xi32, #tpu.memory_space<vmem>>) semaphore(%arg19 : memref<!tpu.dma_semaphore, #tpu.memory_space<semaphore_mem>>)
      %add3A_115 = arith.constant 2 : i32
      %add3A_116 = arith.addi %add3A_101, %add3A_115 : i32
      %lt3A = arith.constant 128 : i32
      %lt3A_117 = arith.cmpi slt, %add3A_116, %lt3A : i32
      %convert_element_type3A = arith.extui %lt3A_117 : i1 to i32
      %cond3A = arith.constant 0 : i32
      %cond3A_118 = arith.cmpi ne, %convert_element_type3A, %cond3A : i32
      scf.if %cond3A_118 {
        %add3A_150 = arith.constant 2 : i32
        %add3A_151 = arith.addi %add3A_101, %add3A_150 : i32
        %mul3A_152 = arith.constant 4096 : i32
        %mul3A_153 = arith.muli %add3A_151, %mul3A_152 : i32
        %add3A_154 = arith.addi %mul3A_2, %mul3A_153 : i32
        %dma_start3A_155 = tpu.memref_slice %arg4[%add3A_154] : memref<16777216xi32, #tpu.memory_space<hbm>> -> memref<4096xi32, #tpu.memory_space<hbm>>
        %dma_start3A_156 = tpu.memref_slice %arg4[%add3A_154] : memref<16777216xi32, #tpu.memory_space<hbm>> -> memref<4096xi32, #tpu.memory_space<hbm>>
        tpu.enqueue_dma source(%dma_start3A_156 : memref<4096xi32, #tpu.memory_space<hbm>>) target(%arg7 : memref<4096xi32, #tpu.memory_space<vmem>>) target_semaphore(%arg17 : memref<!tpu.dma_semaphore, #tpu.memory_space<semaphore_mem>>)
      } else {
      }
      %ge3A = arith.constant 1 : i32
      %ge3A_119 = arith.cmpi sge, %add3A_101, %ge3A : i32
      %convert_element_type3A_120 = arith.extui %ge3A_119 : i1 to i32
      %cond3A_121 = arith.constant 0 : i32
      %cond3A_122 = arith.cmpi ne, %convert_element_type3A_120, %cond3A_121 : i32
      scf.if %cond3A_122 {
        %dma_wait3A_150 = arith.constant 0 : i32
        %dma_wait3A_151 = arith.constant 0 : i32
        %dma_wait3A_152 = tpu.memref_slice %arg2[%dma_wait3A_150, %dma_wait3A_151] : memref<2097152x8xf32, #tpu.memory_space<hbm>> -> memref<2097152x8xf32, #tpu.memory_space<hbm>>
        tpu.wait_indirect_dma semaphore(%arg20 : memref<!tpu.dma_semaphore, #tpu.memory_space<semaphore_mem>>) src(%dma_wait3A_152 : memref<2097152x8xf32, #tpu.memory_space<hbm>>) dst(%arg14 : memref<4096x8xf32, #tpu.memory_space<vmem>>)
        %ge3A_153 = arith.constant 3 : i32
        %ge3A_154 = arith.cmpi sge, %add3A_101, %ge3A_153 : i32
        %convert_element_type3A_155 = arith.extui %ge3A_154 : i1 to i32
        %cond3A_156 = arith.constant 0 : i32
        %cond3A_157 = arith.cmpi ne, %convert_element_type3A_155, %cond3A_156 : i32
        scf.if %cond3A_157 {
          %sub3A_171 = arith.constant 3 : i32
          %sub3A_172 = arith.subi %add3A_101, %sub3A_171 : i32
          %mul3A_173 = arith.constant 4096 : i32
          %mul3A_174 = arith.muli %sub3A_172, %mul3A_173 : i32
          %add3A_175 = arith.addi %mul3A_2, %mul3A_174 : i32
          %mul3A_176 = arith.constant 2 : i32
          %mul3A_177 = arith.muli %mul3A_176, %add3A_175 : i32
          %dma_wait3A_178 = tpu.memref_slice %arg6[%mul3A_177] : memref<33554432xf32, #tpu.memory_space<hbm>> -> memref<8192xf32, #tpu.memory_space<hbm>>
          %dma_wait3A_179 = tpu.memref_slice %arg6[%mul3A_177] : memref<33554432xf32, #tpu.memory_space<hbm>> -> memref<8192xf32, #tpu.memory_space<hbm>>
          tpu.wait_dma2 semaphore(%arg22 : memref<!tpu.dma_semaphore, #tpu.memory_space<semaphore_mem>>) src(%arg16 : memref<8192xf32, #tpu.memory_space<vmem>>) dst(%dma_wait3A_179 : memref<8192xf32, #tpu.memory_space<hbm>>)
        } else {
        }
        %scan3A_158 = arith.constant 0 : i32
        %scan3A_159 = arith.constant 256 : i32
        %scan3A_160 = arith.addi %scan3A_158, %scan3A_159 : i32
        %scan3A_161 = arith.constant 1 : i32
        scf.for %scan3A_171 = %scan3A_158 to %scan3A_160 step %scan3A_161  : i32 {
          %mul3A_172 = arith.constant 16 : i32
          %mul3A_173 = arith.muli %scan3A_171, %mul3A_172 : i32
          %add3A_174 = arith.constant 0 : i32
          %add3A_175 = arith.addi %add3A_174, %mul3A_173 : i32
          %get3A = arith.index_cast %add3A_175 : i32 to index
          %get3A_176 = tpu.vector_load %arg12[%get3A] {strides = array<i32>} : memref<4096xi32, #tpu.memory_space<vmem>>, vector<16xi32>,
          %broadcast_in_dim3A = vector.shape_cast %shift_right_arithmetic3A_4 : vector<16xi32> to vector<16x1xi32>
          %gather3A = vector.shape_cast %broadcast_in_dim3A : vector<16x1xi32> to vector<16xi32>
          %gather3A_177 = tpu.dynamic_gather %get3A_176[%gather3A] in [0] : vector<16xi32>, vector<16xi32> -> vector<16xi32>
          %add3A_178 = arith.addi %gather3A_177, %and3A_9 : vector<16xi32>
          %add3A_179 = vector.broadcast %add3A_175 : i32 to vector<16xi32>
          %add3A_180 = arith.addi %add3A_179, %shift_right_arithmetic3A_4 : vector<16xi32>
          %gather3A_181 = tpu.vector_load_idx %arg14[%add3A_180, %add3A_178] : memref<4096x8xf32, #tpu.memory_space<vmem>>[vector<16xi32>, vector<16xi32>], vector<16xf32>,
          %mul3A_182 = arith.constant 2 : i32
          %mul3A_183 = arith.muli %mul3A_182, %add3A_175 : i32
          %add3A_184 = arith.constant 0 : i32
          %add3A_185 = arith.addi %mul3A_183, %add3A_184 : i32
          %swap3A = arith.index_cast %add3A_185 : i32 to index
          %swap3A_186 = tpu.vector_load %arg16[%swap3A] {strides = array<i32>} : memref<8192xf32, #tpu.memory_space<vmem>>, vector<16xf32>,
          tpu.vector_store %arg16[%swap3A], %gather3A_181 {strides = array<i32>} : memref<8192xf32, #tpu.memory_space<vmem>>, vector<16xf32>,
          %broadcast_in_dim3A_187 = vector.shape_cast %add3A_7 : vector<16xi32> to vector<16x1xi32>
          %gather3A_188 = vector.shape_cast %broadcast_in_dim3A_187 : vector<16x1xi32> to vector<16xi32>
          %gather3A_189 = tpu.dynamic_gather %get3A_176[%gather3A_188] in [0] : vector<16xi32>, vector<16xi32> -> vector<16xi32>
          %add3A_190 = arith.addi %gather3A_189, %and3A_9 : vector<16xi32>
          %add3A_191 = vector.broadcast %add3A_175 : i32 to vector<16xi32>
          %add3A_192 = arith.addi %add3A_191, %add3A_7 : vector<16xi32>
          %gather3A_193 = tpu.vector_load_idx %arg14[%add3A_192, %add3A_190] : memref<4096x8xf32, #tpu.memory_space<vmem>>[vector<16xi32>, vector<16xi32>], vector<16xf32>,
          %mul3A_194 = arith.constant 2 : i32
          %mul3A_195 = arith.muli %mul3A_194, %add3A_175 : i32
          %add3A_196 = arith.constant 16 : i32
          %add3A_197 = arith.addi %mul3A_195, %add3A_196 : i32
          %swap3A_198 = arith.index_cast %add3A_197 : i32 to index
          %swap3A_199 = tpu.vector_load %arg16[%swap3A_198] {strides = array<i32>} : memref<8192xf32, #tpu.memory_space<vmem>>, vector<16xf32>,
          tpu.vector_store %arg16[%swap3A_198], %gather3A_193 {strides = array<i32>} : memref<8192xf32, #tpu.memory_space<vmem>>, vector<16xf32>,
        }
        %scan3A_162 = arith.constant 256 : i32
        %sub3A = arith.constant 1 : i32
        %sub3A_163 = arith.subi %add3A_101, %sub3A : i32
        %mul3A_164 = arith.constant 4096 : i32
        %mul3A_165 = arith.muli %sub3A_163, %mul3A_164 : i32
        %add3A_166 = arith.addi %mul3A_2, %mul3A_165 : i32
        %mul3A_167 = arith.constant 2 : i32
        %mul3A_168 = arith.muli %mul3A_167, %add3A_166 : i32
        %dma_start3A_169 = tpu.memref_slice %arg6[%mul3A_168] : memref<33554432xf32, #tpu.memory_space<hbm>> -> memref<8192xf32, #tpu.memory_space<hbm>>
        %dma_start3A_170 = tpu.memref_slice %arg6[%mul3A_168] : memref<33554432xf32, #tpu.memory_space<hbm>> -> memref<8192xf32, #tpu.memory_space<hbm>>
        tpu.enqueue_dma source(%arg16 : memref<8192xf32, #tpu.memory_space<vmem>>) target(%dma_start3A_170 : memref<8192xf32, #tpu.memory_space<hbm>>) target_semaphore(%arg22 : memref<!tpu.dma_semaphore, #tpu.memory_space<semaphore_mem>>)
      } else {
      }
      %add3A_123 = arith.constant 1 : i32
      %add3A_124 = arith.addi %add3A_101, %add3A_123 : i32
      %mul3A_125 = arith.constant 4096 : i32
      %mul3A_126 = arith.muli %add3A_124, %mul3A_125 : i32
      %add3A_127 = arith.addi %mul3A_2, %mul3A_126 : i32
      %dma_wait3A_128 = tpu.memref_slice %arg4[%add3A_127] : memref<16777216xi32, #tpu.memory_space<hbm>> -> memref<4096xi32, #tpu.memory_space<hbm>>
      %dma_wait3A_129 = tpu.memref_slice %arg4[%add3A_127] : memref<16777216xi32, #tpu.memory_space<hbm>> -> memref<4096xi32, #tpu.memory_space<hbm>>
      tpu.wait_dma2 semaphore(%arg18 : memref<!tpu.dma_semaphore, #tpu.memory_space<semaphore_mem>>) src(%dma_wait3A_129 : memref<4096xi32, #tpu.memory_space<hbm>>) dst(%arg8 : memref<4096xi32, #tpu.memory_space<vmem>>)
      %scan3A_130 = arith.constant 0 : i32
      %scan3A_131 = arith.constant 256 : i32
      %scan3A_132 = arith.addi %scan3A_130, %scan3A_131 : i32
      %scan3A_133 = arith.constant 1 : i32
      scf.for %scan3A_150 = %scan3A_130 to %scan3A_132 step %scan3A_133  : i32 {
        %mul3A_151 = arith.constant 16 : i32
        %mul3A_152 = arith.muli %scan3A_150, %mul3A_151 : i32
        %add3A_153 = arith.constant 0 : i32
        %add3A_154 = arith.addi %add3A_153, %mul3A_152 : i32
        %get3A = arith.index_cast %add3A_154 : i32 to index
        %get3A_155 = tpu.vector_load %arg8[%get3A] {strides = array<i32>} : memref<4096xi32, #tpu.memory_space<vmem>>, vector<16xi32>,
        %shift_right_arithmetic3A_156 = arith.constant 2 : i32
        %shift_right_arithmetic3A_157 = vector.broadcast %shift_right_arithmetic3A_156 : i32 to vector<16xi32>
        %shift_right_arithmetic3A_158 = arith.shrsi %get3A_155, %shift_right_arithmetic3A_157 : vector<16xi32>
        %swap3A = arith.index_cast %add3A_154 : i32 to index
        %swap3A_159 = tpu.vector_load %arg10[%swap3A] {strides = array<i32>} : memref<4096xi32, #tpu.memory_space<vmem>>, vector<16xi32>,
        tpu.vector_store %arg10[%swap3A], %shift_right_arithmetic3A_158 {strides = array<i32>} : memref<4096xi32, #tpu.memory_space<vmem>>, vector<16xi32>,
        %and3A_160 = arith.constant 3 : i32
        %and3A_161 = vector.broadcast %and3A_160 : i32 to vector<16xi32>
        %and3A_162 = arith.andi %get3A_155, %and3A_161 : vector<16xi32>
        %shift_left3A = arith.constant 1 : i32
        %shift_left3A_163 = vector.broadcast %shift_left3A : i32 to vector<16xi32>
        %shift_left3A_164 = arith.shli %and3A_162, %shift_left3A_163 : vector<16xi32>
        %swap3A_165 = arith.index_cast %add3A_154 : i32 to index
        %swap3A_166 = tpu.vector_load %arg12[%swap3A_165] {strides = array<i32>} : memref<4096xi32, #tpu.memory_space<vmem>>, vector<16xi32>,
        tpu.vector_store %arg12[%swap3A_165], %shift_left3A_164 {strides = array<i32>} : memref<4096xi32, #tpu.memory_space<vmem>>, vector<16xi32>,
      }
      %scan3A_134 = arith.constant 256 : i32
      %dma_start3A_135 = arith.constant 0 : i32
      %dma_start3A_136 = arith.constant 0 : i32
      %dma_start3A_137 = tpu.memref_slice %arg2[%dma_start3A_135, %dma_start3A_136] : memref<2097152x8xf32, #tpu.memory_space<hbm>> -> memref<2097152x8xf32, #tpu.memory_space<hbm>>
      tpu.enqueue_indirect_dma source(%dma_start3A_137 : memref<2097152x8xf32, #tpu.memory_space<hbm>>) target(%arg14 : memref<4096x8xf32, #tpu.memory_space<vmem>>) offsets(%arg10 : memref<4096xi32, #tpu.memory_space<vmem>>) semaphore(%arg20 : memref<!tpu.dma_semaphore, #tpu.memory_space<semaphore_mem>>)
      %add3A_138 = arith.constant 2 : i32
      %add3A_139 = arith.addi %add3A_124, %add3A_138 : i32
      %lt3A_140 = arith.constant 128 : i32
      %lt3A_141 = arith.cmpi slt, %add3A_139, %lt3A_140 : i32
      %convert_element_type3A_142 = arith.extui %lt3A_141 : i1 to i32
      %cond3A_143 = arith.constant 0 : i32
      %cond3A_144 = arith.cmpi ne, %convert_element_type3A_142, %cond3A_143 : i32
      scf.if %cond3A_144 {
        %add3A_150 = arith.constant 2 : i32
        %add3A_151 = arith.addi %add3A_124, %add3A_150 : i32
        %mul3A_152 = arith.constant 4096 : i32
        %mul3A_153 = arith.muli %add3A_151, %mul3A_152 : i32
        %add3A_154 = arith.addi %mul3A_2, %mul3A_153 : i32
        %dma_start3A_155 = tpu.memref_slice %arg4[%add3A_154] : memref<16777216xi32, #tpu.memory_space<hbm>> -> memref<4096xi32, #tpu.memory_space<hbm>>
        %dma_start3A_156 = tpu.memref_slice %arg4[%add3A_154] : memref<16777216xi32, #tpu.memory_space<hbm>> -> memref<4096xi32, #tpu.memory_space<hbm>>
        tpu.enqueue_dma source(%dma_start3A_156 : memref<4096xi32, #tpu.memory_space<hbm>>) target(%arg8 : memref<4096xi32, #tpu.memory_space<vmem>>) target_semaphore(%arg18 : memref<!tpu.dma_semaphore, #tpu.memory_space<semaphore_mem>>)
      } else {
      }
      %ge3A_145 = arith.constant 1 : i32
      %ge3A_146 = arith.cmpi sge, %add3A_124, %ge3A_145 : i32
      %convert_element_type3A_147 = arith.extui %ge3A_146 : i1 to i32
      %cond3A_148 = arith.constant 0 : i32
      %cond3A_149 = arith.cmpi ne, %convert_element_type3A_147, %cond3A_148 : i32
      scf.if %cond3A_149 {
        %dma_wait3A_150 = arith.constant 0 : i32
        %dma_wait3A_151 = arith.constant 0 : i32
        %dma_wait3A_152 = tpu.memref_slice %arg2[%dma_wait3A_150, %dma_wait3A_151] : memref<2097152x8xf32, #tpu.memory_space<hbm>> -> memref<2097152x8xf32, #tpu.memory_space<hbm>>
        tpu.wait_indirect_dma semaphore(%arg19 : memref<!tpu.dma_semaphore, #tpu.memory_space<semaphore_mem>>) src(%dma_wait3A_152 : memref<2097152x8xf32, #tpu.memory_space<hbm>>) dst(%arg13 : memref<4096x8xf32, #tpu.memory_space<vmem>>)
        %ge3A_153 = arith.constant 3 : i32
        %ge3A_154 = arith.cmpi sge, %add3A_124, %ge3A_153 : i32
        %convert_element_type3A_155 = arith.extui %ge3A_154 : i1 to i32
        %cond3A_156 = arith.constant 0 : i32
        %cond3A_157 = arith.cmpi ne, %convert_element_type3A_155, %cond3A_156 : i32
        scf.if %cond3A_157 {
          %sub3A_171 = arith.constant 3 : i32
          %sub3A_172 = arith.subi %add3A_124, %sub3A_171 : i32
          %mul3A_173 = arith.constant 4096 : i32
          %mul3A_174 = arith.muli %sub3A_172, %mul3A_173 : i32
          %add3A_175 = arith.addi %mul3A_2, %mul3A_174 : i32
          %mul3A_176 = arith.constant 2 : i32
          %mul3A_177 = arith.muli %mul3A_176, %add3A_175 : i32
          %dma_wait3A_178 = tpu.memref_slice %arg6[%mul3A_177] : memref<33554432xf32, #tpu.memory_space<hbm>> -> memref<8192xf32, #tpu.memory_space<hbm>>
          %dma_wait3A_179 = tpu.memref_slice %arg6[%mul3A_177] : memref<33554432xf32, #tpu.memory_space<hbm>> -> memref<8192xf32, #tpu.memory_space<hbm>>
          tpu.wait_dma2 semaphore(%arg21 : memref<!tpu.dma_semaphore, #tpu.memory_space<semaphore_mem>>) src(%arg15 : memref<8192xf32, #tpu.memory_space<vmem>>) dst(%dma_wait3A_179 : memref<8192xf32, #tpu.memory_space<hbm>>)
        } else {
        }
        %scan3A_158 = arith.constant 0 : i32
        %scan3A_159 = arith.constant 256 : i32
        %scan3A_160 = arith.addi %scan3A_158, %scan3A_159 : i32
        %scan3A_161 = arith.constant 1 : i32
        scf.for %scan3A_171 = %scan3A_158 to %scan3A_160 step %scan3A_161  : i32 {
          %mul3A_172 = arith.constant 16 : i32
          %mul3A_173 = arith.muli %scan3A_171, %mul3A_172 : i32
          %add3A_174 = arith.constant 0 : i32
          %add3A_175 = arith.addi %add3A_174, %mul3A_173 : i32
          %get3A = arith.index_cast %add3A_175 : i32 to index
          %get3A_176 = tpu.vector_load %arg11[%get3A] {strides = array<i32>} : memref<4096xi32, #tpu.memory_space<vmem>>, vector<16xi32>,
          %broadcast_in_dim3A = vector.shape_cast %shift_right_arithmetic3A_4 : vector<16xi32> to vector<16x1xi32>
          %gather3A = vector.shape_cast %broadcast_in_dim3A : vector<16x1xi32> to vector<16xi32>
          %gather3A_177 = tpu.dynamic_gather %get3A_176[%gather3A] in [0] : vector<16xi32>, vector<16xi32> -> vector<16xi32>
          %add3A_178 = arith.addi %gather3A_177, %and3A_9 : vector<16xi32>
          %add3A_179 = vector.broadcast %add3A_175 : i32 to vector<16xi32>
          %add3A_180 = arith.addi %add3A_179, %shift_right_arithmetic3A_4 : vector<16xi32>
          %gather3A_181 = tpu.vector_load_idx %arg13[%add3A_180, %add3A_178] : memref<4096x8xf32, #tpu.memory_space<vmem>>[vector<16xi32>, vector<16xi32>], vector<16xf32>,
          %mul3A_182 = arith.constant 2 : i32
          %mul3A_183 = arith.muli %mul3A_182, %add3A_175 : i32
          %add3A_184 = arith.constant 0 : i32
          %add3A_185 = arith.addi %mul3A_183, %add3A_184 : i32
          %swap3A = arith.index_cast %add3A_185 : i32 to index
          %swap3A_186 = tpu.vector_load %arg15[%swap3A] {strides = array<i32>} : memref<8192xf32, #tpu.memory_space<vmem>>, vector<16xf32>,
          tpu.vector_store %arg15[%swap3A], %gather3A_181 {strides = array<i32>} : memref<8192xf32, #tpu.memory_space<vmem>>, vector<16xf32>,
          %broadcast_in_dim3A_187 = vector.shape_cast %add3A_7 : vector<16xi32> to vector<16x1xi32>
          %gather3A_188 = vector.shape_cast %broadcast_in_dim3A_187 : vector<16x1xi32> to vector<16xi32>
          %gather3A_189 = tpu.dynamic_gather %get3A_176[%gather3A_188] in [0] : vector<16xi32>, vector<16xi32> -> vector<16xi32>
          %add3A_190 = arith.addi %gather3A_189, %and3A_9 : vector<16xi32>
          %add3A_191 = vector.broadcast %add3A_175 : i32 to vector<16xi32>
          %add3A_192 = arith.addi %add3A_191, %add3A_7 : vector<16xi32>
          %gather3A_193 = tpu.vector_load_idx %arg13[%add3A_192, %add3A_190] : memref<4096x8xf32, #tpu.memory_space<vmem>>[vector<16xi32>, vector<16xi32>], vector<16xf32>,
          %mul3A_194 = arith.constant 2 : i32
          %mul3A_195 = arith.muli %mul3A_194, %add3A_175 : i32
          %add3A_196 = arith.constant 16 : i32
          %add3A_197 = arith.addi %mul3A_195, %add3A_196 : i32
          %swap3A_198 = arith.index_cast %add3A_197 : i32 to index
          %swap3A_199 = tpu.vector_load %arg15[%swap3A_198] {strides = array<i32>} : memref<8192xf32, #tpu.memory_space<vmem>>, vector<16xf32>,
          tpu.vector_store %arg15[%swap3A_198], %gather3A_193 {strides = array<i32>} : memref<8192xf32, #tpu.memory_space<vmem>>, vector<16xf32>,
        }
        %scan3A_162 = arith.constant 256 : i32
        %sub3A = arith.constant 1 : i32
        %sub3A_163 = arith.subi %add3A_124, %sub3A : i32
        %mul3A_164 = arith.constant 4096 : i32
        %mul3A_165 = arith.muli %sub3A_163, %mul3A_164 : i32
        %add3A_166 = arith.addi %mul3A_2, %mul3A_165 : i32
        %mul3A_167 = arith.constant 2 : i32
        %mul3A_168 = arith.muli %mul3A_167, %add3A_166 : i32
        %dma_start3A_169 = tpu.memref_slice %arg6[%mul3A_168] : memref<33554432xf32, #tpu.memory_space<hbm>> -> memref<8192xf32, #tpu.memory_space<hbm>>
        %dma_start3A_170 = tpu.memref_slice %arg6[%mul3A_168] : memref<33554432xf32, #tpu.memory_space<hbm>> -> memref<8192xf32, #tpu.memory_space<hbm>>
        tpu.enqueue_dma source(%arg15 : memref<8192xf32, #tpu.memory_space<vmem>>) target(%dma_start3A_170 : memref<8192xf32, #tpu.memory_space<hbm>>) target_semaphore(%arg21 : memref<!tpu.dma_semaphore, #tpu.memory_space<semaphore_mem>>)
      } else {
      }
    }
    %scan3A_64 = arith.constant 64 : i32
    %dma_wait3A_65 = arith.constant 0 : i32
    %dma_wait3A_66 = arith.constant 0 : i32
    %dma_wait3A_67 = tpu.memref_slice %arg2[%dma_wait3A_65, %dma_wait3A_66] : memref<2097152x8xf32, #tpu.memory_space<hbm>> -> memref<2097152x8xf32, #tpu.memory_space<hbm>>
    tpu.wait_indirect_dma semaphore(%arg20 : memref<!tpu.dma_semaphore, #tpu.memory_space<semaphore_mem>>) src(%dma_wait3A_67 : memref<2097152x8xf32, #tpu.memory_space<hbm>>) dst(%arg14 : memref<4096x8xf32, #tpu.memory_space<vmem>>)
    %add3A_68 = arith.constant 512000 : i32
    %add3A_69 = arith.addi %mul3A_2, %add3A_68 : i32
    %mul3A_70 = arith.constant 2 : i32
    %mul3A_71 = arith.muli %mul3A_70, %add3A_69 : i32
    %dma_wait3A_72 = tpu.memref_slice %arg6[%mul3A_71] : memref<33554432xf32, #tpu.memory_space<hbm>> -> memref<8192xf32, #tpu.memory_space<hbm>>
    %dma_wait3A_73 = tpu.memref_slice %arg6[%mul3A_71] : memref<33554432xf32, #tpu.memory_space<hbm>> -> memref<8192xf32, #tpu.memory_space<hbm>>
    tpu.wait_dma2 semaphore(%arg22 : memref<!tpu.dma_semaphore, #tpu.memory_space<semaphore_mem>>) src(%arg16 : memref<8192xf32, #tpu.memory_space<vmem>>) dst(%dma_wait3A_73 : memref<8192xf32, #tpu.memory_space<hbm>>)
    %scan3A_74 = arith.constant 0 : i32
    %scan3A_75 = arith.constant 256 : i32
    %scan3A_76 = arith.addi %scan3A_74, %scan3A_75 : i32
    %scan3A_77 = arith.constant 1 : i32
    scf.for %scan3A_97 = %scan3A_74 to %scan3A_76 step %scan3A_77  : i32 {
      %mul3A_98 = arith.constant 16 : i32
      %mul3A_99 = arith.muli %scan3A_97, %mul3A_98 : i32
      %add3A_100 = arith.constant 0 : i32
      %add3A_101 = arith.addi %add3A_100, %mul3A_99 : i32
      %get3A = arith.index_cast %add3A_101 : i32 to index
      %get3A_102 = tpu.vector_load %arg12[%get3A] {strides = array<i32>} : memref<4096xi32, #tpu.memory_space<vmem>>, vector<16xi32>,
      %broadcast_in_dim3A = vector.shape_cast %shift_right_arithmetic3A_4 : vector<16xi32> to vector<16x1xi32>
      %gather3A = vector.shape_cast %broadcast_in_dim3A : vector<16x1xi32> to vector<16xi32>
      %gather3A_103 = tpu.dynamic_gather %get3A_102[%gather3A] in [0] : vector<16xi32>, vector<16xi32> -> vector<16xi32>
      %add3A_104 = arith.addi %gather3A_103, %and3A_9 : vector<16xi32>
      %add3A_105 = vector.broadcast %add3A_101 : i32 to vector<16xi32>
      %add3A_106 = arith.addi %add3A_105, %shift_right_arithmetic3A_4 : vector<16xi32>
      %gather3A_107 = tpu.vector_load_idx %arg14[%add3A_106, %add3A_104] : memref<4096x8xf32, #tpu.memory_space<vmem>>[vector<16xi32>, vector<16xi32>], vector<16xf32>,
      %mul3A_108 = arith.constant 2 : i32
      %mul3A_109 = arith.muli %mul3A_108, %add3A_101 : i32
      %add3A_110 = arith.constant 0 : i32
      %add3A_111 = arith.addi %mul3A_109, %add3A_110 : i32
      %swap3A = arith.index_cast %add3A_111 : i32 to index
      %swap3A_112 = tpu.vector_load %arg16[%swap3A] {strides = array<i32>} : memref<8192xf32, #tpu.memory_space<vmem>>, vector<16xf32>,
      tpu.vector_store %arg16[%swap3A], %gather3A_107 {strides = array<i32>} : memref<8192xf32, #tpu.memory_space<vmem>>, vector<16xf32>,
      %broadcast_in_dim3A_113 = vector.shape_cast %add3A_7 : vector<16xi32> to vector<16x1xi32>
      %gather3A_114 = vector.shape_cast %broadcast_in_dim3A_113 : vector<16x1xi32> to vector<16xi32>
      %gather3A_115 = tpu.dynamic_gather %get3A_102[%gather3A_114] in [0] : vector<16xi32>, vector<16xi32> -> vector<16xi32>
      %add3A_116 = arith.addi %gather3A_115, %and3A_9 : vector<16xi32>
      %add3A_117 = vector.broadcast %add3A_101 : i32 to vector<16xi32>
      %add3A_118 = arith.addi %add3A_117, %add3A_7 : vector<16xi32>
      %gather3A_119 = tpu.vector_load_idx %arg14[%add3A_118, %add3A_116] : memref<4096x8xf32, #tpu.memory_space<vmem>>[vector<16xi32>, vector<16xi32>], vector<16xf32>,
      %mul3A_120 = arith.constant 2 : i32
      %mul3A_121 = arith.muli %mul3A_120, %add3A_101 : i32
      %add3A_122 = arith.constant 16 : i32
      %add3A_123 = arith.addi %mul3A_121, %add3A_122 : i32
      %swap3A_124 = arith.index_cast %add3A_123 : i32 to index
      %swap3A_125 = tpu.vector_load %arg16[%swap3A_124] {strides = array<i32>} : memref<8192xf32, #tpu.memory_space<vmem>>, vector<16xf32>,
      tpu.vector_store %arg16[%swap3A_124], %gather3A_119 {strides = array<i32>} : memref<8192xf32, #tpu.memory_space<vmem>>, vector<16xf32>,
    }
    %scan3A_78 = arith.constant 256 : i32
    %add3A_79 = arith.constant 520192 : i32
    %add3A_80 = arith.addi %mul3A_2, %add3A_79 : i32
    %mul3A_81 = arith.constant 2 : i32
    %mul3A_82 = arith.muli %mul3A_81, %add3A_80 : i32
    %dma_start3A_83 = tpu.memref_slice %arg6[%mul3A_82] : memref<33554432xf32, #tpu.memory_space<hbm>> -> memref<8192xf32, #tpu.memory_space<hbm>>
    %dma_start3A_84 = tpu.memref_slice %arg6[%mul3A_82] : memref<33554432xf32, #tpu.memory_space<hbm>> -> memref<8192xf32, #tpu.memory_space<hbm>>
    tpu.enqueue_dma source(%arg16 : memref<8192xf32, #tpu.memory_space<vmem>>) target(%dma_start3A_84 : memref<8192xf32, #tpu.memory_space<hbm>>) target_semaphore(%arg22 : memref<!tpu.dma_semaphore, #tpu.memory_space<semaphore_mem>>)
    %add3A_85 = arith.constant 516096 : i32
    %add3A_86 = arith.addi %mul3A_2, %add3A_85 : i32
    %mul3A_87 = arith.constant 2 : i32
    %mul3A_88 = arith.muli %mul3A_87, %add3A_86 : i32
    %dma_wait3A_89 = tpu.memref_slice %arg6[%mul3A_88] : memref<33554432xf32, #tpu.memory_space<hbm>> -> memref<8192xf32, #tpu.memory_space<hbm>>
    %dma_wait3A_90 = tpu.memref_slice %arg6[%mul3A_88] : memref<33554432xf32, #tpu.memory_space<hbm>> -> memref<8192xf32, #tpu.memory_space<hbm>>
    tpu.wait_dma2 semaphore(%arg21 : memref<!tpu.dma_semaphore, #tpu.memory_space<semaphore_mem>>) src(%arg15 : memref<8192xf32, #tpu.memory_space<vmem>>) dst(%dma_wait3A_90 : memref<8192xf32, #tpu.memory_space<hbm>>)
    %add3A_91 = arith.constant 520192 : i32
    %add3A_92 = arith.addi %mul3A_2, %add3A_91 : i32
    %mul3A_93 = arith.constant 2 : i32
    %mul3A_94 = arith.muli %mul3A_93, %add3A_92 : i32
    %dma_wait3A_95 = tpu.memref_slice %arg6[%mul3A_94] : memref<33554432xf32, #tpu.memory_space<hbm>> -> memref<8192xf32, #tpu.memory_space<hbm>>
    %dma_wait3A_96 = tpu.memref_slice %arg6[%mul3A_94] : memref<33554432xf32, #tpu.memory_space<hbm>> -> memref<8192xf32, #tpu.memory_space<hbm>>
    tpu.wait_dma2 semaphore(%arg22 : memref<!tpu.dma_semaphore, #tpu.memory_space<semaphore_mem>>) src(%arg16 : memref<8192xf32, #tpu.memory_space<vmem>>) dst(%dma_wait3A_96 : memref<8192xf32, #tpu.memory_space<hbm>>)
    return
  }
}

module attributes {stable_mosaic.version = 14 : i64} {
  func.func @_interleave_body(%arg0: i32, %arg1: i32, %arg2: memref<1x512x64xf32, #tpu.memory_space<vmem>>, %arg3: memref<1x512x64xf32, #tpu.memory_space<vmem>>, %arg4: memref<512x128xf32, #tpu.memory_space<vmem>>) attributes {dimension_semantics = [#tpu.dimension_semantics<arbitrary>, #tpu.dimension_semantics<arbitrary>], iteration_bounds = array<i64: 16, 16>, scalar_prefetch = 0 : i64, scratch_operands = 0 : i64, tpu.core_type = #tpu.core_type<tc>, window_params = [{transform_indices = @transform_0, window_bounds = array<i64: 1, 512, 64>}, {transform_indices = @transform_1, window_bounds = array<i64: 1, 512, 64>}, {transform_indices = @transform_2, window_bounds = array<i64: 512, 128>}]} {
    %get3A = arith.constant 0 : index
    %get3A_0 = arith.constant 0 : index
    %get3A_1 = arith.constant 0 : index
    %get3A_2 = vector.load %arg2[%get3A, %get3A_0, %get3A_1] : memref<1x512x64xf32, #tpu.memory_space<vmem>>, vector<1x512x64xf32>
    %get3A_3 = vector.shape_cast %get3A_2 : vector<1x512x64xf32> to vector<512x64xf32>
    %get3A_4 = arith.constant 0 : index
    %get3A_5 = arith.constant 0 : index
    %get3A_6 = arith.constant 0 : index
    %get3A_7 = vector.load %arg3[%get3A_4, %get3A_5, %get3A_6] : memref<1x512x64xf32, #tpu.memory_space<vmem>>, vector<1x512x64xf32>
    %get3A_8 = vector.shape_cast %get3A_7 : vector<1x512x64xf32> to vector<512x64xf32>
    %iota3A = tpu.iota {dimensions = array<i32: 0>} : vector<64x128xi32>
    %iota3A_9 = tpu.iota {dimensions = array<i32: 1>} : vector<64x128xi32>
    %mul3A = arith.constant 2 : i32
    %mul3A_10 = vector.broadcast %mul3A : i32 to vector<64x128xi32>
    %mul3A_11 = arith.muli %mul3A_10, %iota3A : vector<64x128xi32>
    %eq3A = arith.cmpi eq, %iota3A_9, %mul3A_11 : vector<64x128xi32>
    %convert_element_type3A = arith.extui %eq3A : vector<64x128xi1> to vector<64x128xi32>
    %convert_element_type3A_12 = arith.sitofp %convert_element_type3A : vector<64x128xi32> to vector<64x128xf32>
    %mul3A_13 = arith.constant 2 : i32
    %mul3A_14 = vector.broadcast %mul3A_13 : i32 to vector<64x128xi32>
    %mul3A_15 = arith.muli %mul3A_14, %iota3A : vector<64x128xi32>
    %add3A = arith.constant 1 : i32
    %add3A_16 = vector.broadcast %add3A : i32 to vector<64x128xi32>
    %add3A_17 = arith.addi %mul3A_15, %add3A_16 : vector<64x128xi32>
    %eq3A_18 = arith.cmpi eq, %iota3A_9, %add3A_17 : vector<64x128xi32>
    %convert_element_type3A_19 = arith.extui %eq3A_18 : vector<64x128xi1> to vector<64x128xi32>
    %convert_element_type3A_20 = arith.sitofp %convert_element_type3A_19 : vector<64x128xi32> to vector<64x128xf32>
    %dot_general3A = arith.constant dense<0.000000e+00> : vector<512x128xf32>
    %dot_general3A_21 = tpu.matmul %get3A_3, %convert_element_type3A_12, %dot_general3A {dimension_numbers = #tpu.dot_dimension_numbers<[1], [0], [0], [1], [0, 0, 1, 1], [], []>, precision = #tpu.contract_precision<fp32>, transpose_lhs_hint = false} : vector<512x64xf32>, vector<64x128xf32>, vector<512x128xf32> -> vector<512x128xf32>
    %dot_general3A_22 = arith.constant dense<0.000000e+00> : vector<512x128xf32>
    %dot_general3A_23 = tpu.matmul %get3A_8, %convert_element_type3A_20, %dot_general3A_22 {dimension_numbers = #tpu.dot_dimension_numbers<[1], [0], [0], [1], [0, 0, 1, 1], [], []>, precision = #tpu.contract_precision<fp32>, transpose_lhs_hint = false} : vector<512x64xf32>, vector<64x128xf32>, vector<512x128xf32> -> vector<512x128xf32>
    %add3A_24 = arith.addf %dot_general3A_21, %dot_general3A_23 : vector<512x128xf32>
    %swap3A = arith.constant 0 : index
    %swap3A_25 = arith.constant 0 : index
    %swap3A_26 = vector.load %arg4[%swap3A, %swap3A_25] : memref<512x128xf32, #tpu.memory_space<vmem>>, vector<512x128xf32>
    tpu.vector_store %arg4[%swap3A, %swap3A_25], %add3A_24 {strides = array<i32>} : memref<512x128xf32, #tpu.memory_space<vmem>>, vector<512x128xf32>,
    return
  }
  func.func @transform_0(%arg0: i32, %arg1: i32) -> (i32, i32, i32) {
    %mul3A = arith.constant 2 : i32
    %mul3A_0 = arith.muli %mul3A, %arg0 : i32
    %c0_i32 = arith.constant 0 : i32
    %c0_i32_1 = arith.constant 0 : i32
    return %mul3A_0, %arg1, %c0_i32 : i32, i32, i32
  }
  func.func @transform_1(%arg0: i32, %arg1: i32) -> (i32, i32, i32) {
    %mul3A = arith.constant 2 : i32
    %mul3A_0 = arith.muli %mul3A, %arg0 : i32
    %add3A = arith.constant 1 : i32
    %add3A_1 = arith.addi %mul3A_0, %add3A : i32
    %c0_i32 = arith.constant 0 : i32
    %c0_i32_2 = arith.constant 0 : i32
    return %add3A_1, %arg1, %c0_i32 : i32, i32, i32
  }
  func.func @transform_2(%arg0: i32, %arg1: i32) -> (i32, i32) {
    %mul3A = arith.constant 16 : i32
    %mul3A_0 = arith.muli %arg0, %mul3A : i32
    %add3A = arith.addi %mul3A_0, %arg1 : i32
    %c0_i32 = arith.constant 0 : i32
    %c0_i32_1 = arith.constant 0 : i32
    return %add3A, %c0_i32 : i32, i32
  }
}

module attributes {stable_mosaic.version = 14 : i64} {
  func.func @_hash_body(%arg0: i32, %arg1: memref<1x128xf32, #tpu.memory_space<vmem>>, %arg2: memref<2048x3xf32, #tpu.memory_space<vmem>>, %arg3: memref<2048x64xi32, #tpu.memory_space<vmem>>, %arg4: memref<2048x64xi32, #tpu.memory_space<vmem>>) attributes {dimension_semantics = [#tpu.dimension_semantics<arbitrary>], iteration_bounds = array<i64: 128>, scalar_prefetch = 0 : i64, scratch_operands = 0 : i64, tpu.core_type = #tpu.core_type<tc>, window_params = [{pipeline_mode = #tpu.pipeline_mode<synchronous>, transform_indices = @transform_0, window_bounds = array<i64: 1, 128>}, {transform_indices = @transform_1, window_bounds = array<i64: 2048, 3>}, {transform_indices = @transform_2, window_bounds = array<i64: 2048, 64>}, {transform_indices = @transform_3, window_bounds = array<i64: 2048, 64>}]} {
    %get3A = arith.constant 0 : index
    %get3A_0 = arith.constant 0 : index
    %get3A_1 = vector.load %arg2[%get3A, %get3A_0] : memref<2048x3xf32, #tpu.memory_space<vmem>>, vector<2048x3xf32>
    %get3A_2 = arith.constant 0 : index
    %get3A_3 = arith.constant 0 : index
    %get3A_4 = vector.load %arg1[%get3A_2, %get3A_3] : memref<1x128xf32, #tpu.memory_space<vmem>>, vector<1x128xf32>
    %iota3A = tpu.iota {dimensions = array<i32: 1>} : vector<1x128xi32>
    %and3A = arith.constant 7 : i32
    %and3A_5 = vector.broadcast %and3A : i32 to vector<1x128xi32>
    %and3A_6 = arith.andi %iota3A, %and3A_5 : vector<1x128xi32>
    %shift_right_arithmetic3A = arith.constant 2 : i32
    %shift_right_arithmetic3A_7 = vector.broadcast %shift_right_arithmetic3A : i32 to vector<1x128xi32>
    %shift_right_arithmetic3A_8 = arith.shrsi %and3A_6, %shift_right_arithmetic3A_7 : vector<1x128xi32>
    %and3A_9 = arith.constant 1 : i32
    %and3A_10 = vector.broadcast %and3A_9 : i32 to vector<1x128xi32>
    %and3A_11 = arith.andi %shift_right_arithmetic3A_8, %and3A_10 : vector<1x128xi32>
    %shift_right_arithmetic3A_12 = arith.constant 1 : i32
    %shift_right_arithmetic3A_13 = vector.broadcast %shift_right_arithmetic3A_12 : i32 to vector<1x128xi32>
    %shift_right_arithmetic3A_14 = arith.shrsi %and3A_6, %shift_right_arithmetic3A_13 : vector<1x128xi32>
    %and3A_15 = arith.constant 1 : i32
    %and3A_16 = vector.broadcast %and3A_15 : i32 to vector<1x128xi32>
    %and3A_17 = arith.andi %shift_right_arithmetic3A_14, %and3A_16 : vector<1x128xi32>
    %and3A_18 = arith.constant 1 : i32
    %and3A_19 = vector.broadcast %and3A_18 : i32 to vector<1x128xi32>
    %and3A_20 = arith.andi %and3A_6, %and3A_19 : vector<1x128xi32>
    %shift_right_arithmetic3A_21 = arith.constant 3 : i32
    %shift_right_arithmetic3A_22 = vector.broadcast %shift_right_arithmetic3A_21 : i32 to vector<1x128xi32>
    %shift_right_arithmetic3A_23 = arith.shrsi %iota3A, %shift_right_arithmetic3A_22 : vector<1x128xi32>
    %mul3A = arith.constant 524288 : i32
    %mul3A_24 = vector.broadcast %mul3A : i32 to vector<1x128xi32>
    %mul3A_25 = arith.muli %shift_right_arithmetic3A_23, %mul3A_24 : vector<1x128xi32>
    %slice3A = vector.extract_strided_slice %get3A_1 {offsets = [0, 0], sizes = [2048, 1], strides = [1, 1]} : vector<2048x3xf32> to vector<2048x1xf32>
    %mul3A_26 = vector.broadcast %slice3A : vector<2048x1xf32> to vector<2048x128xf32>
    %mul3A_27 = vector.broadcast %get3A_4 : vector<1x128xf32> to vector<2048x128xf32>
    %mul3A_28 = arith.mulf %mul3A_26, %mul3A_27 : vector<2048x128xf32>
    %floor3A = math.floor %mul3A_28 : vector<2048x128xf32>
    %convert_element_type3A = arith.fptosi %floor3A : vector<2048x128xf32> to vector<2048x128xi32>
    %add3A = vector.broadcast %and3A_11 : vector<1x128xi32> to vector<2048x128xi32>
    %add3A_29 = arith.addi %convert_element_type3A, %add3A : vector<2048x128xi32>
    %slice3A_30 = vector.extract_strided_slice %get3A_1 {offsets = [0, 1], sizes = [2048, 1], strides = [1, 1]} : vector<2048x3xf32> to vector<2048x1xf32>
    %mul3A_31 = vector.broadcast %slice3A_30 : vector<2048x1xf32> to vector<2048x128xf32>
    %mul3A_32 = vector.broadcast %get3A_4 : vector<1x128xf32> to vector<2048x128xf32>
    %mul3A_33 = arith.mulf %mul3A_31, %mul3A_32 : vector<2048x128xf32>
    %floor3A_34 = math.floor %mul3A_33 : vector<2048x128xf32>
    %convert_element_type3A_35 = arith.fptosi %floor3A_34 : vector<2048x128xf32> to vector<2048x128xi32>
    %add3A_36 = vector.broadcast %and3A_17 : vector<1x128xi32> to vector<2048x128xi32>
    %add3A_37 = arith.addi %convert_element_type3A_35, %add3A_36 : vector<2048x128xi32>
    %mul3A_38 = arith.constant -1640531535 : i32
    %mul3A_39 = vector.broadcast %mul3A_38 : i32 to vector<2048x128xi32>
    %mul3A_40 = arith.muli %add3A_37, %mul3A_39 : vector<2048x128xi32>
    %slice3A_41 = vector.extract_strided_slice %get3A_1 {offsets = [0, 2], sizes = [2048, 1], strides = [1, 1]} : vector<2048x3xf32> to vector<2048x1xf32>
    %mul3A_42 = vector.broadcast %slice3A_41 : vector<2048x1xf32> to vector<2048x128xf32>
    %mul3A_43 = vector.broadcast %get3A_4 : vector<1x128xf32> to vector<2048x128xf32>
    %mul3A_44 = arith.mulf %mul3A_42, %mul3A_43 : vector<2048x128xf32>
    %floor3A_45 = math.floor %mul3A_44 : vector<2048x128xf32>
    %convert_element_type3A_46 = arith.fptosi %floor3A_45 : vector<2048x128xf32> to vector<2048x128xi32>
    %add3A_47 = vector.broadcast %and3A_20 : vector<1x128xi32> to vector<2048x128xi32>
    %add3A_48 = arith.addi %convert_element_type3A_46, %add3A_47 : vector<2048x128xi32>
    %mul3A_49 = arith.constant 805459861 : i32
    %mul3A_50 = vector.broadcast %mul3A_49 : i32 to vector<2048x128xi32>
    %mul3A_51 = arith.muli %add3A_48, %mul3A_50 : vector<2048x128xi32>
    %xor3A = arith.xori %add3A_29, %mul3A_40 : vector<2048x128xi32>
    %xor3A_52 = arith.xori %xor3A, %mul3A_51 : vector<2048x128xi32>
    %and3A_53 = arith.constant 524287 : i32
    %and3A_54 = vector.broadcast %and3A_53 : i32 to vector<2048x128xi32>
    %and3A_55 = arith.andi %xor3A_52, %and3A_54 : vector<2048x128xi32>
    %add3A_56 = vector.broadcast %mul3A_25 : vector<1x128xi32> to vector<2048x128xi32>
    %add3A_57 = arith.addi %and3A_55, %add3A_56 : vector<2048x128xi32>
    %slice3A_58 = vector.extract_strided_slice %add3A_57 {offsets = [0, 0], sizes = [2048, 64], strides = [1, 1]} : vector<2048x128xi32> to vector<2048x64xi32>
    %swap3A = arith.constant 0 : index
    %swap3A_59 = arith.constant 0 : index
    %swap3A_60 = vector.load %arg3[%swap3A, %swap3A_59] : memref<2048x64xi32, #tpu.memory_space<vmem>>, vector<2048x64xi32>
    tpu.vector_store %arg3[%swap3A, %swap3A_59], %slice3A_58 {strides = array<i32>} : memref<2048x64xi32, #tpu.memory_space<vmem>>, vector<2048x64xi32>,
    %slice3A_61 = vector.extract_strided_slice %add3A_57 {offsets = [0, 64], sizes = [2048, 64], strides = [1, 1]} : vector<2048x128xi32> to vector<2048x64xi32>
    %swap3A_62 = arith.constant 0 : index
    %swap3A_63 = arith.constant 0 : index
    %swap3A_64 = vector.load %arg4[%swap3A_62, %swap3A_63] : memref<2048x64xi32, #tpu.memory_space<vmem>>, vector<2048x64xi32>
    tpu.vector_store %arg4[%swap3A_62, %swap3A_63], %slice3A_61 {strides = array<i32>} : memref<2048x64xi32, #tpu.memory_space<vmem>>, vector<2048x64xi32>,
    return
  }
  func.func @transform_0(%arg0: i32) -> (i32, i32) {
    %c0_i32 = arith.constant 0 : i32
    %c0_i32_0 = arith.constant 0 : i32
    %c0_i32_1 = arith.constant 0 : i32
    return %c0_i32, %c0_i32_0 : i32, i32
  }
  func.func @transform_1(%arg0: i32) -> (i32, i32) {
    %c0_i32 = arith.constant 0 : i32
    %c0_i32_0 = arith.constant 0 : i32
    return %arg0, %c0_i32 : i32, i32
  }
  func.func @transform_2(%arg0: i32) -> (i32, i32) {
    %c0_i32 = arith.constant 0 : i32
    %c0_i32_0 = arith.constant 0 : i32
    return %arg0, %c0_i32 : i32, i32
  }
  func.func @transform_3(%arg0: i32) -> (i32, i32) {
    %c0_i32 = arith.constant 0 : i32
    %c0_i32_0 = arith.constant 0 : i32
    return %arg0, %c0_i32 : i32, i32
  }
}

module attributes {stable_mosaic.version = 14 : i64} {
  func.func @_mlp_body(%arg0: i32, %arg1: memref<1x128xf32, #tpu.memory_space<vmem>>, %arg2: memref<1x128xf32, #tpu.memory_space<vmem>>, %arg3: memref<1024x3xf32, #tpu.memory_space<vmem>>, %arg4: memref<1024x3xf32, #tpu.memory_space<vmem>>, %arg5: memref<1024x128xf32, #tpu.memory_space<vmem>>, %arg6: memref<1024x128xf32, #tpu.memory_space<vmem>>, %arg7: memref<128x64xf32, #tpu.memory_space<vmem>>, %arg8: memref<128x64xf32, #tpu.memory_space<vmem>>, %arg9: memref<1x64xf32, #tpu.memory_space<vmem>>, %arg10: memref<128x64xf32, #tpu.memory_space<vmem>>, %arg11: memref<128x64xf32, #tpu.memory_space<vmem>>, %arg12: memref<24x64xf32, #tpu.memory_space<vmem>>, %arg13: memref<64x64xf32, #tpu.memory_space<vmem>>, %arg14: memref<64x3xf32, #tpu.memory_space<vmem>>, %arg15: memref<1024x3xf32, #tpu.memory_space<vmem>>, %arg16: memref<1024x1xf32, #tpu.memory_space<vmem>>) attributes {dimension_semantics = [#tpu.dimension_semantics<arbitrary>], iteration_bounds = array<i64: 256>, scalar_prefetch = 0 : i64, scratch_operands = 0 : i64, tpu.core_type = #tpu.core_type<tc>, window_params = [{pipeline_mode = #tpu.pipeline_mode<synchronous>, transform_indices = @transform_0, window_bounds = array<i64: 1, 128>}, {pipeline_mode = #tpu.pipeline_mode<synchronous>, transform_indices = @transform_1, window_bounds = array<i64: 1, 128>}, {transform_indices = @transform_2, window_bounds = array<i64: 1024, 3>}, {transform_indices = @transform_3, window_bounds = array<i64: 1024, 3>}, {transform_indices = @transform_4, window_bounds = array<i64: 1024, 128>}, {transform_indices = @transform_5, window_bounds = array<i64: 1024, 128>}, {pipeline_mode = #tpu.pipeline_mode<synchronous>, transform_indices = @transform_6, window_bounds = array<i64: 128, 64>}, {pipeline_mode = #tpu.pipeline_mode<synchronous>, transform_indices = @transform_7, window_bounds = array<i64: 128, 64>}, {pipeline_mode = #tpu.pipeline_mode<synchronous>, transform_indices = @transform_8, window_bounds = array<i64: 1, 64>}, {pipeline_mode = #tpu.pipeline_mode<synchronous>, transform_indices = @transform_9, window_bounds = array<i64: 128, 64>}, {pipeline_mode = #tpu.pipeline_mode<synchronous>, transform_indices = @transform_10, window_bounds = array<i64: 128, 64>}, {pipeline_mode = #tpu.pipeline_mode<synchronous>, transform_indices = @transform_11, window_bounds = array<i64: 24, 64>}, {pipeline_mode = #tpu.pipeline_mode<synchronous>, transform_indices = @transform_12, window_bounds = array<i64: 64, 64>}, {pipeline_mode = #tpu.pipeline_mode<synchronous>, transform_indices = @transform_13, window_bounds = array<i64: 64, 3>}, {transform_indices = @transform_14, window_bounds = array<i64: 1024, 3>}, {transform_indices = @transform_15, window_bounds = array<i64: 1024, 1>}]} {
    %get3A = arith.constant 0 : index
    %get3A_0 = arith.constant 0 : index
    %get3A_1 = vector.load %arg3[%get3A, %get3A_0] : memref<1024x3xf32, #tpu.memory_space<vmem>>, vector<1024x3xf32>
    %get3A_2 = arith.constant 0 : index
    %get3A_3 = arith.constant 0 : index
    %get3A_4 = vector.load %arg5[%get3A_2, %get3A_3] : memref<1024x128xf32, #tpu.memory_space<vmem>>, vector<1024x128xf32>
    %get3A_5 = arith.constant 0 : index
    %get3A_6 = arith.constant 0 : index
    %get3A_7 = vector.load %arg1[%get3A_5, %get3A_6] : memref<1x128xf32, #tpu.memory_space<vmem>>, vector<1x128xf32>
    %iota3A = tpu.iota {dimensions = array<i32: 1>} : vector<1x128xi32>
    %shift_right_arithmetic3A = arith.constant 1 : i32
    %shift_right_arithmetic3A_8 = vector.broadcast %shift_right_arithmetic3A : i32 to vector<1x128xi32>
    %shift_right_arithmetic3A_9 = arith.shrsi %iota3A, %shift_right_arithmetic3A_8 : vector<1x128xi32>
    %and3A = arith.constant 7 : i32
    %and3A_10 = vector.broadcast %and3A : i32 to vector<1x128xi32>
    %and3A_11 = arith.andi %shift_right_arithmetic3A_9, %and3A_10 : vector<1x128xi32>
    %shift_right_arithmetic3A_12 = arith.constant 2 : i32
    %shift_right_arithmetic3A_13 = vector.broadcast %shift_right_arithmetic3A_12 : i32 to vector<1x128xi32>
    %shift_right_arithmetic3A_14 = arith.shrsi %and3A_11, %shift_right_arithmetic3A_13 : vector<1x128xi32>
    %and3A_15 = arith.constant 1 : i32
    %and3A_16 = vector.broadcast %and3A_15 : i32 to vector<1x128xi32>
    %and3A_17 = arith.andi %shift_right_arithmetic3A_14, %and3A_16 : vector<1x128xi32>
    %shift_right_arithmetic3A_18 = arith.constant 1 : i32
    %shift_right_arithmetic3A_19 = vector.broadcast %shift_right_arithmetic3A_18 : i32 to vector<1x128xi32>
    %shift_right_arithmetic3A_20 = arith.shrsi %and3A_11, %shift_right_arithmetic3A_19 : vector<1x128xi32>
    %and3A_21 = arith.constant 1 : i32
    %and3A_22 = vector.broadcast %and3A_21 : i32 to vector<1x128xi32>
    %and3A_23 = arith.andi %shift_right_arithmetic3A_20, %and3A_22 : vector<1x128xi32>
    %and3A_24 = arith.constant 1 : i32
    %and3A_25 = vector.broadcast %and3A_24 : i32 to vector<1x128xi32>
    %and3A_26 = arith.andi %and3A_11, %and3A_25 : vector<1x128xi32>
    %slice3A = vector.extract_strided_slice %get3A_1 {offsets = [0, 0], sizes = [1024, 1], strides = [1, 1]} : vector<1024x3xf32> to vector<1024x1xf32>
    %mul3A = vector.broadcast %slice3A : vector<1024x1xf32> to vector<1024x128xf32>
    %mul3A_27 = vector.broadcast %get3A_7 : vector<1x128xf32> to vector<1024x128xf32>
    %mul3A_28 = arith.mulf %mul3A, %mul3A_27 : vector<1024x128xf32>
    %floor3A = math.floor %mul3A_28 : vector<1024x128xf32>
    %sub3A = arith.subf %mul3A_28, %floor3A : vector<1024x128xf32>
    %gt3A = arith.constant 0 : i32
    %gt3A_29 = vector.broadcast %gt3A : i32 to vector<1x128xi32>
    %gt3A_30 = arith.cmpi sgt, %and3A_17, %gt3A_29 : vector<1x128xi32>
    %sub3A_31 = arith.constant 1.000000e+00 : f32
    %sub3A_32 = vector.broadcast %sub3A_31 : f32 to vector<1024x128xf32>
    %sub3A_33 = arith.subf %sub3A_32, %sub3A : vector<1024x128xf32>
    %broadcast_in_dim3A = vector.shape_cast %gt3A_30 : vector<1x128xi1> to vector<1x128xi1>
    %broadcast_in_dim3A_34 = vector.broadcast %broadcast_in_dim3A : vector<1x128xi1> to vector<1024x128xi1>
    %select_n3A = arith.select %broadcast_in_dim3A_34, %sub3A, %sub3A_33 : vector<1024x128xi1>, vector<1024x128xf32>
    %slice3A_35 = vector.extract_strided_slice %get3A_1 {offsets = [0, 1], sizes = [1024, 1], strides = [1, 1]} : vector<1024x3xf32> to vector<1024x1xf32>
    %mul3A_36 = vector.broadcast %slice3A_35 : vector<1024x1xf32> to vector<1024x128xf32>
    %mul3A_37 = vector.broadcast %get3A_7 : vector<1x128xf32> to vector<1024x128xf32>
    %mul3A_38 = arith.mulf %mul3A_36, %mul3A_37 : vector<1024x128xf32>
    %floor3A_39 = math.floor %mul3A_38 : vector<1024x128xf32>
    %sub3A_40 = arith.subf %mul3A_38, %floor3A_39 : vector<1024x128xf32>
    %gt3A_41 = arith.constant 0 : i32
    %gt3A_42 = vector.broadcast %gt3A_41 : i32 to vector<1x128xi32>
    %gt3A_43 = arith.cmpi sgt, %and3A_23, %gt3A_42 : vector<1x128xi32>
    %sub3A_44 = arith.constant 1.000000e+00 : f32
    %sub3A_45 = vector.broadcast %sub3A_44 : f32 to vector<1024x128xf32>
    %sub3A_46 = arith.subf %sub3A_45, %sub3A_40 : vector<1024x128xf32>
    %broadcast_in_dim3A_47 = vector.shape_cast %gt3A_43 : vector<1x128xi1> to vector<1x128xi1>
    %broadcast_in_dim3A_48 = vector.broadcast %broadcast_in_dim3A_47 : vector<1x128xi1> to vector<1024x128xi1>
    %select_n3A_49 = arith.select %broadcast_in_dim3A_48, %sub3A_40, %sub3A_46 : vector<1024x128xi1>, vector<1024x128xf32>
    %mul3A_50 = arith.mulf %select_n3A, %select_n3A_49 : vector<1024x128xf32>
    %slice3A_51 = vector.extract_strided_slice %get3A_1 {offsets = [0, 2], sizes = [1024, 1], strides = [1, 1]} : vector<1024x3xf32> to vector<1024x1xf32>
    %mul3A_52 = vector.broadcast %slice3A_51 : vector<1024x1xf32> to vector<1024x128xf32>
    %mul3A_53 = vector.broadcast %get3A_7 : vector<1x128xf32> to vector<1024x128xf32>
    %mul3A_54 = arith.mulf %mul3A_52, %mul3A_53 : vector<1024x128xf32>
    %floor3A_55 = math.floor %mul3A_54 : vector<1024x128xf32>
    %sub3A_56 = arith.subf %mul3A_54, %floor3A_55 : vector<1024x128xf32>
    %gt3A_57 = arith.constant 0 : i32
    %gt3A_58 = vector.broadcast %gt3A_57 : i32 to vector<1x128xi32>
    %gt3A_59 = arith.cmpi sgt, %and3A_26, %gt3A_58 : vector<1x128xi32>
    %sub3A_60 = arith.constant 1.000000e+00 : f32
    %sub3A_61 = vector.broadcast %sub3A_60 : f32 to vector<1024x128xf32>
    %sub3A_62 = arith.subf %sub3A_61, %sub3A_56 : vector<1024x128xf32>
    %broadcast_in_dim3A_63 = vector.shape_cast %gt3A_59 : vector<1x128xi1> to vector<1x128xi1>
    %broadcast_in_dim3A_64 = vector.broadcast %broadcast_in_dim3A_63 : vector<1x128xi1> to vector<1024x128xi1>
    %select_n3A_65 = arith.select %broadcast_in_dim3A_64, %sub3A_56, %sub3A_62 : vector<1024x128xi1>, vector<1024x128xf32>
    %mul3A_66 = arith.mulf %mul3A_50, %select_n3A_65 : vector<1024x128xf32>
    %mul3A_67 = arith.mulf %get3A_4, %mul3A_66 : vector<1024x128xf32>
    %get3A_68 = arith.constant 0 : index
    %get3A_69 = arith.constant 0 : index
    %get3A_70 = vector.load %arg6[%get3A_68, %get3A_69] : memref<1024x128xf32, #tpu.memory_space<vmem>>, vector<1024x128xf32>
    %get3A_71 = arith.constant 0 : index
    %get3A_72 = arith.constant 0 : index
    %get3A_73 = vector.load %arg2[%get3A_71, %get3A_72] : memref<1x128xf32, #tpu.memory_space<vmem>>, vector<1x128xf32>
    %iota3A_74 = tpu.iota {dimensions = array<i32: 1>} : vector<1x128xi32>
    %shift_right_arithmetic3A_75 = arith.constant 1 : i32
    %shift_right_arithmetic3A_76 = vector.broadcast %shift_right_arithmetic3A_75 : i32 to vector<1x128xi32>
    %shift_right_arithmetic3A_77 = arith.shrsi %iota3A_74, %shift_right_arithmetic3A_76 : vector<1x128xi32>
    %and3A_78 = arith.constant 7 : i32
    %and3A_79 = vector.broadcast %and3A_78 : i32 to vector<1x128xi32>
    %and3A_80 = arith.andi %shift_right_arithmetic3A_77, %and3A_79 : vector<1x128xi32>
    %shift_right_arithmetic3A_81 = arith.constant 2 : i32
    %shift_right_arithmetic3A_82 = vector.broadcast %shift_right_arithmetic3A_81 : i32 to vector<1x128xi32>
    %shift_right_arithmetic3A_83 = arith.shrsi %and3A_80, %shift_right_arithmetic3A_82 : vector<1x128xi32>
    %and3A_84 = arith.constant 1 : i32
    %and3A_85 = vector.broadcast %and3A_84 : i32 to vector<1x128xi32>
    %and3A_86 = arith.andi %shift_right_arithmetic3A_83, %and3A_85 : vector<1x128xi32>
    %shift_right_arithmetic3A_87 = arith.constant 1 : i32
    %shift_right_arithmetic3A_88 = vector.broadcast %shift_right_arithmetic3A_87 : i32 to vector<1x128xi32>
    %shift_right_arithmetic3A_89 = arith.shrsi %and3A_80, %shift_right_arithmetic3A_88 : vector<1x128xi32>
    %and3A_90 = arith.constant 1 : i32
    %and3A_91 = vector.broadcast %and3A_90 : i32 to vector<1x128xi32>
    %and3A_92 = arith.andi %shift_right_arithmetic3A_89, %and3A_91 : vector<1x128xi32>
    %and3A_93 = arith.constant 1 : i32
    %and3A_94 = vector.broadcast %and3A_93 : i32 to vector<1x128xi32>
    %and3A_95 = arith.andi %and3A_80, %and3A_94 : vector<1x128xi32>
    %slice3A_96 = vector.extract_strided_slice %get3A_1 {offsets = [0, 0], sizes = [1024, 1], strides = [1, 1]} : vector<1024x3xf32> to vector<1024x1xf32>
    %mul3A_97 = vector.broadcast %slice3A_96 : vector<1024x1xf32> to vector<1024x128xf32>
    %mul3A_98 = vector.broadcast %get3A_73 : vector<1x128xf32> to vector<1024x128xf32>
    %mul3A_99 = arith.mulf %mul3A_97, %mul3A_98 : vector<1024x128xf32>
    %floor3A_100 = math.floor %mul3A_99 : vector<1024x128xf32>
    %sub3A_101 = arith.subf %mul3A_99, %floor3A_100 : vector<1024x128xf32>
    %gt3A_102 = arith.constant 0 : i32
    %gt3A_103 = vector.broadcast %gt3A_102 : i32 to vector<1x128xi32>
    %gt3A_104 = arith.cmpi sgt, %and3A_86, %gt3A_103 : vector<1x128xi32>
    %sub3A_105 = arith.constant 1.000000e+00 : f32
    %sub3A_106 = vector.broadcast %sub3A_105 : f32 to vector<1024x128xf32>
    %sub3A_107 = arith.subf %sub3A_106, %sub3A_101 : vector<1024x128xf32>
    %broadcast_in_dim3A_108 = vector.shape_cast %gt3A_104 : vector<1x128xi1> to vector<1x128xi1>
    %broadcast_in_dim3A_109 = vector.broadcast %broadcast_in_dim3A_108 : vector<1x128xi1> to vector<1024x128xi1>
    %select_n3A_110 = arith.select %broadcast_in_dim3A_109, %sub3A_101, %sub3A_107 : vector<1024x128xi1>, vector<1024x128xf32>
    %slice3A_111 = vector.extract_strided_slice %get3A_1 {offsets = [0, 1], sizes = [1024, 1], strides = [1, 1]} : vector<1024x3xf32> to vector<1024x1xf32>
    %mul3A_112 = vector.broadcast %slice3A_111 : vector<1024x1xf32> to vector<1024x128xf32>
    %mul3A_113 = vector.broadcast %get3A_73 : vector<1x128xf32> to vector<1024x128xf32>
    %mul3A_114 = arith.mulf %mul3A_112, %mul3A_113 : vector<1024x128xf32>
    %floor3A_115 = math.floor %mul3A_114 : vector<1024x128xf32>
    %sub3A_116 = arith.subf %mul3A_114, %floor3A_115 : vector<1024x128xf32>
    %gt3A_117 = arith.constant 0 : i32
    %gt3A_118 = vector.broadcast %gt3A_117 : i32 to vector<1x128xi32>
    %gt3A_119 = arith.cmpi sgt, %and3A_92, %gt3A_118 : vector<1x128xi32>
    %sub3A_120 = arith.constant 1.000000e+00 : f32
    %sub3A_121 = vector.broadcast %sub3A_120 : f32 to vector<1024x128xf32>
    %sub3A_122 = arith.subf %sub3A_121, %sub3A_116 : vector<1024x128xf32>
    %broadcast_in_dim3A_123 = vector.shape_cast %gt3A_119 : vector<1x128xi1> to vector<1x128xi1>
    %broadcast_in_dim3A_124 = vector.broadcast %broadcast_in_dim3A_123 : vector<1x128xi1> to vector<1024x128xi1>
    %select_n3A_125 = arith.select %broadcast_in_dim3A_124, %sub3A_116, %sub3A_122 : vector<1024x128xi1>, vector<1024x128xf32>
    %mul3A_126 = arith.mulf %select_n3A_110, %select_n3A_125 : vector<1024x128xf32>
    %slice3A_127 = vector.extract_strided_slice %get3A_1 {offsets = [0, 2], sizes = [1024, 1], strides = [1, 1]} : vector<1024x3xf32> to vector<1024x1xf32>
    %mul3A_128 = vector.broadcast %slice3A_127 : vector<1024x1xf32> to vector<1024x128xf32>
    %mul3A_129 = vector.broadcast %get3A_73 : vector<1x128xf32> to vector<1024x128xf32>
    %mul3A_130 = arith.mulf %mul3A_128, %mul3A_129 : vector<1024x128xf32>
    %floor3A_131 = math.floor %mul3A_130 : vector<1024x128xf32>
    %sub3A_132 = arith.subf %mul3A_130, %floor3A_131 : vector<1024x128xf32>
    %gt3A_133 = arith.constant 0 : i32
    %gt3A_134 = vector.broadcast %gt3A_133 : i32 to vector<1x128xi32>
    %gt3A_135 = arith.cmpi sgt, %and3A_95, %gt3A_134 : vector<1x128xi32>
    %sub3A_136 = arith.constant 1.000000e+00 : f32
    %sub3A_137 = vector.broadcast %sub3A_136 : f32 to vector<1024x128xf32>
    %sub3A_138 = arith.subf %sub3A_137, %sub3A_132 : vector<1024x128xf32>
    %broadcast_in_dim3A_139 = vector.shape_cast %gt3A_135 : vector<1x128xi1> to vector<1x128xi1>
    %broadcast_in_dim3A_140 = vector.broadcast %broadcast_in_dim3A_139 : vector<1x128xi1> to vector<1024x128xi1>
    %select_n3A_141 = arith.select %broadcast_in_dim3A_140, %sub3A_132, %sub3A_138 : vector<1024x128xi1>, vector<1024x128xf32>
    %mul3A_142 = arith.mulf %mul3A_126, %select_n3A_141 : vector<1024x128xf32>
    %mul3A_143 = arith.mulf %get3A_70, %mul3A_142 : vector<1024x128xf32>
    %get3A_144 = arith.constant 0 : index
    %get3A_145 = arith.constant 0 : index
    %get3A_146 = vector.load %arg7[%get3A_144, %get3A_145] : memref<128x64xf32, #tpu.memory_space<vmem>>, vector<128x64xf32>
    %dot_general3A = arith.constant dense<0.000000e+00> : vector<1024x64xf32>
    %dot_general3A_147 = tpu.matmul %mul3A_67, %get3A_146, %dot_general3A {dimension_numbers = #tpu.dot_dimension_numbers<[1], [0], [0], [1], [0, 0, 1, 1], [], []>, transpose_lhs_hint = false} : vector<1024x128xf32>, vector<128x64xf32>, vector<1024x64xf32> -> vector<1024x64xf32>
    %get3A_148 = arith.constant 0 : index
    %get3A_149 = arith.constant 0 : index
    %get3A_150 = vector.load %arg8[%get3A_148, %get3A_149] : memref<128x64xf32, #tpu.memory_space<vmem>>, vector<128x64xf32>
    %dot_general3A_151 = arith.constant dense<0.000000e+00> : vector<1024x64xf32>
    %dot_general3A_152 = tpu.matmul %mul3A_143, %get3A_150, %dot_general3A_151 {dimension_numbers = #tpu.dot_dimension_numbers<[1], [0], [0], [1], [0, 0, 1, 1], [], []>, transpose_lhs_hint = false} : vector<1024x128xf32>, vector<128x64xf32>, vector<1024x64xf32> -> vector<1024x64xf32>
    %add3A = arith.addf %dot_general3A_147, %dot_general3A_152 : vector<1024x64xf32>
    %max3A = arith.constant 0.000000e+00 : f32
    %max3A_153 = vector.broadcast %max3A : f32 to vector<1024x64xf32>
    %max3A_154 = arith.maximumf %add3A, %max3A_153 : vector<1024x64xf32>
    %get3A_155 = arith.constant 0 : index
    %get3A_156 = arith.constant 0 : index
    %get3A_157 = vector.load %arg9[%get3A_155, %get3A_156] : memref<1x64xf32, #tpu.memory_space<vmem>>, vector<1x64xf32>
    %mul3A_158 = vector.broadcast %get3A_157 : vector<1x64xf32> to vector<1024x64xf32>
    %mul3A_159 = arith.mulf %max3A_154, %mul3A_158 : vector<1024x64xf32>
    %reduce_sum3A = arith.constant dense<0.000000e+00> : vector<1024xf32>
    %reduce_sum3A_160 = vector.multi_reduction <add>, %mul3A_159, %reduce_sum3A [1] : vector<1024x64xf32> to vector<1024xf32>
    %broadcast_in_dim3A_161 = vector.shape_cast %reduce_sum3A_160 : vector<1024xf32> to vector<1024x1xf32>
    %swap3A = arith.constant 0 : index
    %swap3A_162 = arith.constant 0 : index
    %swap3A_163 = vector.load %arg16[%swap3A, %swap3A_162] : memref<1024x1xf32, #tpu.memory_space<vmem>>, vector<1024x1xf32>
    tpu.vector_store %arg16[%swap3A, %swap3A_162], %broadcast_in_dim3A_161 {strides = array<i32>} : memref<1024x1xf32, #tpu.memory_space<vmem>>, vector<1024x1xf32>,
    %get3A_164 = arith.constant 0 : index
    %get3A_165 = arith.constant 0 : index
    %get3A_166 = vector.load %arg4[%get3A_164, %get3A_165] : memref<1024x3xf32, #tpu.memory_space<vmem>>, vector<1024x3xf32>
    %slice3A_167 = vector.extract_strided_slice %get3A_166 {offsets = [0, 0], sizes = [1024, 1], strides = [1, 1]} : vector<1024x3xf32> to vector<1024x1xf32>
    %broadcast_in_dim3A_168 = vector.shape_cast %slice3A_167 : vector<1024x1xf32> to vector<1024x1xf32>
    %broadcast_in_dim3A_169 = vector.broadcast %broadcast_in_dim3A_168 : vector<1024x1xf32> to vector<1024x8xf32>
    %slice3A_170 = vector.extract_strided_slice %get3A_166 {offsets = [0, 1], sizes = [1024, 1], strides = [1, 1]} : vector<1024x3xf32> to vector<1024x1xf32>
    %broadcast_in_dim3A_171 = vector.shape_cast %slice3A_170 : vector<1024x1xf32> to vector<1024x1xf32>
    %broadcast_in_dim3A_172 = vector.broadcast %broadcast_in_dim3A_171 : vector<1024x1xf32> to vector<1024x8xf32>
    %slice3A_173 = vector.extract_strided_slice %get3A_166 {offsets = [0, 2], sizes = [1024, 1], strides = [1, 1]} : vector<1024x3xf32> to vector<1024x1xf32>
    %broadcast_in_dim3A_174 = vector.shape_cast %slice3A_173 : vector<1024x1xf32> to vector<1024x1xf32>
    %broadcast_in_dim3A_175 = vector.broadcast %broadcast_in_dim3A_174 : vector<1024x1xf32> to vector<1024x8xf32>
    %concatenate3A = tpu.concatenate %broadcast_in_dim3A_169, %broadcast_in_dim3A_172, %broadcast_in_dim3A_175 in 1 : vector<1024x8xf32>, vector<1024x8xf32>, vector<1024x8xf32> -> vector<1024x24xf32>
    %iota3A_176 = tpu.iota {dimensions = array<i32: 1>} : vector<1x24xi32>
    %and3A_177 = arith.constant 3 : i32
    %and3A_178 = vector.broadcast %and3A_177 : i32 to vector<1x24xi32>
    %and3A_179 = arith.andi %iota3A_176, %and3A_178 : vector<1x24xi32>
    %shift_left3A = arith.constant 1 : i32
    %shift_left3A_180 = vector.broadcast %shift_left3A : i32 to vector<1x24xi32>
    %shift_left3A_181 = arith.shli %shift_left3A_180, %and3A_179 : vector<1x24xi32>
    %convert_element_type3A = arith.sitofp %shift_left3A_181 : vector<1x24xi32> to vector<1x24xf32>
    %mul3A_182 = vector.broadcast %convert_element_type3A : vector<1x24xf32> to vector<1024x24xf32>
    %mul3A_183 = arith.mulf %concatenate3A, %mul3A_182 : vector<1024x24xf32>
    %and3A_184 = arith.constant 7 : i32
    %and3A_185 = vector.broadcast %and3A_184 : i32 to vector<1x24xi32>
    %and3A_186 = arith.andi %iota3A_176, %and3A_185 : vector<1x24xi32>
    %lt3A = arith.constant 4 : i32
    %lt3A_187 = vector.broadcast %lt3A : i32 to vector<1x24xi32>
    %lt3A_188 = arith.cmpi slt, %and3A_186, %lt3A_187 : vector<1x24xi32>
    %sin3A = math.sin %mul3A_183 : vector<1024x24xf32>
    %cos3A = math.cos %mul3A_183 : vector<1024x24xf32>
    %broadcast_in_dim3A_189 = vector.shape_cast %lt3A_188 : vector<1x24xi1> to vector<1x24xi1>
    %broadcast_in_dim3A_190 = vector.broadcast %broadcast_in_dim3A_189 : vector<1x24xi1> to vector<1024x24xi1>
    %select_n3A_191 = arith.select %broadcast_in_dim3A_190, %sin3A, %cos3A : vector<1024x24xi1>, vector<1024x24xf32>
    %get3A_192 = arith.constant 0 : index
    %get3A_193 = arith.constant 0 : index
    %get3A_194 = vector.load %arg10[%get3A_192, %get3A_193] : memref<128x64xf32, #tpu.memory_space<vmem>>, vector<128x64xf32>
    %dot_general3A_195 = arith.constant dense<0.000000e+00> : vector<1024x64xf32>
    %dot_general3A_196 = tpu.matmul %mul3A_67, %get3A_194, %dot_general3A_195 {dimension_numbers = #tpu.dot_dimension_numbers<[1], [0], [0], [1], [0, 0, 1, 1], [], []>, transpose_lhs_hint = false} : vector<1024x128xf32>, vector<128x64xf32>, vector<1024x64xf32> -> vector<1024x64xf32>
    %get3A_197 = arith.constant 0 : index
    %get3A_198 = arith.constant 0 : index
    %get3A_199 = vector.load %arg11[%get3A_197, %get3A_198] : memref<128x64xf32, #tpu.memory_space<vmem>>, vector<128x64xf32>
    %dot_general3A_200 = arith.constant dense<0.000000e+00> : vector<1024x64xf32>
    %dot_general3A_201 = tpu.matmul %mul3A_143, %get3A_199, %dot_general3A_200 {dimension_numbers = #tpu.dot_dimension_numbers<[1], [0], [0], [1], [0, 0, 1, 1], [], []>, transpose_lhs_hint = false} : vector<1024x128xf32>, vector<128x64xf32>, vector<1024x64xf32> -> vector<1024x64xf32>
    %add3A_202 = arith.addf %dot_general3A_196, %dot_general3A_201 : vector<1024x64xf32>
    %get3A_203 = arith.constant 0 : index
    %get3A_204 = arith.constant 0 : index
    %get3A_205 = vector.load %arg12[%get3A_203, %get3A_204] : memref<24x64xf32, #tpu.memory_space<vmem>>, vector<24x64xf32>
    %dot_general3A_206 = arith.constant dense<0.000000e+00> : vector<1024x64xf32>
    %dot_general3A_207 = tpu.matmul %select_n3A_191, %get3A_205, %dot_general3A_206 {dimension_numbers = #tpu.dot_dimension_numbers<[1], [0], [0], [1], [0, 0, 1, 1], [], []>, transpose_lhs_hint = false} : vector<1024x24xf32>, vector<24x64xf32>, vector<1024x64xf32> -> vector<1024x64xf32>
    %add3A_208 = arith.addf %add3A_202, %dot_general3A_207 : vector<1024x64xf32>
    %max3A_209 = arith.constant 0.000000e+00 : f32
    %max3A_210 = vector.broadcast %max3A_209 : f32 to vector<1024x64xf32>
    %max3A_211 = arith.maximumf %add3A_208, %max3A_210 : vector<1024x64xf32>
    %get3A_212 = arith.constant 0 : index
    %get3A_213 = arith.constant 0 : index
    %get3A_214 = vector.load %arg13[%get3A_212, %get3A_213] : memref<64x64xf32, #tpu.memory_space<vmem>>, vector<64x64xf32>
    %dot_general3A_215 = arith.constant dense<0.000000e+00> : vector<1024x64xf32>
    %dot_general3A_216 = tpu.matmul %max3A_211, %get3A_214, %dot_general3A_215 {dimension_numbers = #tpu.dot_dimension_numbers<[1], [0], [0], [1], [0, 0, 1, 1], [], []>, transpose_lhs_hint = false} : vector<1024x64xf32>, vector<64x64xf32>, vector<1024x64xf32> -> vector<1024x64xf32>
    %max3A_217 = arith.constant 0.000000e+00 : f32
    %max3A_218 = vector.broadcast %max3A_217 : f32 to vector<1024x64xf32>
    %max3A_219 = arith.maximumf %dot_general3A_216, %max3A_218 : vector<1024x64xf32>
    %get3A_220 = arith.constant 0 : index
    %get3A_221 = arith.constant 0 : index
    %get3A_222 = vector.load %arg14[%get3A_220, %get3A_221] : memref<64x3xf32, #tpu.memory_space<vmem>>, vector<64x3xf32>
    %dot_general3A_223 = arith.constant dense<0.000000e+00> : vector<1024x3xf32>
    %dot_general3A_224 = tpu.matmul %max3A_219, %get3A_222, %dot_general3A_223 {dimension_numbers = #tpu.dot_dimension_numbers<[1], [0], [0], [1], [0, 0, 1, 1], [], []>, transpose_lhs_hint = false} : vector<1024x64xf32>, vector<64x3xf32>, vector<1024x3xf32> -> vector<1024x3xf32>
    %swap3A_225 = arith.constant 0 : index
    %swap3A_226 = arith.constant 0 : index
    %swap3A_227 = vector.load %arg15[%swap3A_225, %swap3A_226] : memref<1024x3xf32, #tpu.memory_space<vmem>>, vector<1024x3xf32>
    tpu.vector_store %arg15[%swap3A_225, %swap3A_226], %dot_general3A_224 {strides = array<i32>} : memref<1024x3xf32, #tpu.memory_space<vmem>>, vector<1024x3xf32>,
    return
  }
  func.func @transform_0(%arg0: i32) -> (i32, i32) {
    %c0_i32 = arith.constant 0 : i32
    %c0_i32_0 = arith.constant 0 : i32
    %c0_i32_1 = arith.constant 0 : i32
    return %c0_i32, %c0_i32_0 : i32, i32
  }
  func.func @transform_1(%arg0: i32) -> (i32, i32) {
    %c0_i32 = arith.constant 0 : i32
    %c0_i32_0 = arith.constant 0 : i32
    %c0_i32_1 = arith.constant 0 : i32
    return %c0_i32, %c0_i32_0 : i32, i32
  }
  func.func @transform_2(%arg0: i32) -> (i32, i32) {
    %c0_i32 = arith.constant 0 : i32
    %c0_i32_0 = arith.constant 0 : i32
    return %arg0, %c0_i32 : i32, i32
  }
  func.func @transform_3(%arg0: i32) -> (i32, i32) {
    %c0_i32 = arith.constant 0 : i32
    %c0_i32_0 = arith.constant 0 : i32
    return %arg0, %c0_i32 : i32, i32
  }
  func.func @transform_4(%arg0: i32) -> (i32, i32) {
    %c0_i32 = arith.constant 0 : i32
    %c0_i32_0 = arith.constant 0 : i32
    return %arg0, %c0_i32 : i32, i32
  }
  func.func @transform_5(%arg0: i32) -> (i32, i32) {
    %c0_i32 = arith.constant 0 : i32
    %c0_i32_0 = arith.constant 0 : i32
    return %arg0, %c0_i32 : i32, i32
  }
  func.func @transform_6(%arg0: i32) -> (i32, i32) {
    %c0_i32 = arith.constant 0 : i32
    %c0_i32_0 = arith.constant 0 : i32
    %c0_i32_1 = arith.constant 0 : i32
    return %c0_i32, %c0_i32_0 : i32, i32
  }
  func.func @transform_7(%arg0: i32) -> (i32, i32) {
    %c0_i32 = arith.constant 0 : i32
    %c0_i32_0 = arith.constant 0 : i32
    %c0_i32_1 = arith.constant 0 : i32
    return %c0_i32, %c0_i32_0 : i32, i32
  }
  func.func @transform_8(%arg0: i32) -> (i32, i32) {
    %c0_i32 = arith.constant 0 : i32
    %c0_i32_0 = arith.constant 0 : i32
    %c0_i32_1 = arith.constant 0 : i32
    return %c0_i32, %c0_i32_0 : i32, i32
  }
  func.func @transform_9(%arg0: i32) -> (i32, i32) {
    %c0_i32 = arith.constant 0 : i32
    %c0_i32_0 = arith.constant 0 : i32
    %c0_i32_1 = arith.constant 0 : i32
    return %c0_i32, %c0_i32_0 : i32, i32
  }
  func.func @transform_10(%arg0: i32) -> (i32, i32) {
    %c0_i32 = arith.constant 0 : i32
    %c0_i32_0 = arith.constant 0 : i32
    %c0_i32_1 = arith.constant 0 : i32
    return %c0_i32, %c0_i32_0 : i32, i32
  }
  func.func @transform_11(%arg0: i32) -> (i32, i32) {
    %c0_i32 = arith.constant 0 : i32
    %c0_i32_0 = arith.constant 0 : i32
    %c0_i32_1 = arith.constant 0 : i32
    return %c0_i32, %c0_i32_0 : i32, i32
  }
  func.func @transform_12(%arg0: i32) -> (i32, i32) {
    %c0_i32 = arith.constant 0 : i32
    %c0_i32_0 = arith.constant 0 : i32
    %c0_i32_1 = arith.constant 0 : i32
    return %c0_i32, %c0_i32_0 : i32, i32
  }
  func.func @transform_13(%arg0: i32) -> (i32, i32) {
    %c0_i32 = arith.constant 0 : i32
    %c0_i32_0 = arith.constant 0 : i32
    %c0_i32_1 = arith.constant 0 : i32
    return %c0_i32, %c0_i32_0 : i32, i32
  }
  func.func @transform_14(%arg0: i32) -> (i32, i32) {
    %c0_i32 = arith.constant 0 : i32
    %c0_i32_0 = arith.constant 0 : i32
    return %arg0, %c0_i32 : i32, i32
  }
  func.func @transform_15(%arg0: i32) -> (i32, i32) {
    %c0_i32 = arith.constant 0 : i32
    %c0_i32_0 = arith.constant 0 : i32
    return %arg0, %c0_i32 : i32, i32
  }
}

</mosaic_0001>

<sc_bundles>
// kernel: kernel.6.cloned.1.call-start
scs
__scs_entry_jumppad:
0x0: {  	(pc) =	sbr.rel $0x88, $3  }
0x1: {  	(tag) =	ssettag $0x0;
	lr =	simm.s32 $0x1  }
0x2: {  	[smem:$0x3F99] =	sst lr;
	_ =	strace $0xD0000000  }
0x3: {  	_ = 	snop  }
0x4: {  	_ = 	snop  }
0x5: {  	_ = 	snop  }
0x6: {  	_ = 	snop  }
0x7: {  	_ = 	snop  }
__scs_overlays_trampoline_lowered:
0x8: {  	[smem:$0x3FA8] =	sst s0  }
0x9: {  	[smem:$0x3FA9] =	sst s1  }
0xa: {  	[smem:$0x3FAA] =	sst s2  }
0xb: {  	[smem:$0x3FAB] =	sst s3  }
0xc: {  	[smem:$0x3FAC] =	sst s4  }
0xd: {  	[smem:$0x3FAD] =	sst s5  }
0xe: {  	[smem:$0x3FAE] =	sst s6  }
0xf: {  	[smem:$0x3FAF] =	sst s7  }
0x10: {  	[smem:$0x3FB0] =	sst s8  }
0x11: {  	[smem:$0x3FB1] =	sst s9;
	s0 =	simm.s32 @!p0 $0x0  }
0x12: {  	s1 =	sld [smem:$0x3F97];
	s0 =	simm.s32 @p0 $0x1  }
0x13: {  	[smem:$0x3FB2] =	sst s0;
	s0 =	simm.s32 @!p1 $0x0  }
0x14: {  	s2 =	sld [smem:$0x3F96];
	s0 =	simm.s32 @p1 $0x1  }
0x15: {  	[smem:$0x3FB3] =	sst s0;
	s0 =	simm.s32 @!p2 $0x0  }
0x16: {  	s3 =	sld [smem:$0x3FDB];
	s0 =	simm.s32 @p2 $0x1  }
0x17: {  	s4 =	simm.s32 $0x1BF5;
	[smem:$0x3FB5] =	sst s0  }
0x18: {  	s0 =	sld [smem:$0x3F98];
	_ =	swait.ge [sflag:s4], $0x0  }
0x19: {  	s7 =	sld [smem:$0x3F99]  }
0x1a: {  	s8 =	sadd.s32 $0xFFFFE003, lr  }
0x1b: {  	s9 =	sadd.s32 $0xFFFFFEF7, lr;
	s5 =	simm.s32 $0xFFFFFFFF;
	p2 =	slt.u32 s8, $0xFFFFF086  }
0x1c: {  	p1 =	slt.u32 s9, $0xF7A;
	s5 =	simm.s32 @!p2 $0x0  }
0x1d: {  	s5 =	simm.s32 @p1 $0x1;
	p0 =	seq.s32 s7, s2  }
0x1e: {  	s7 =	smul.u32 @!p0 $0xF7A, s2;
	p2 =	seq.s32 @!p0 s5, $0x0  }
0x1f: {  	s9 =	smul.u32 $0xF7A, s1;
	s8 =	simm.s32 @!p0 $0x1BF5;
	p2 =	por !p2, p0  }
0x20: {  	[sflag:s8] =	ssyncset.s32 @!p0 $0xFFFFF086;
	s6 =	sadd.s32 @!p0 s3, s7;
	s7 =	simm.s32 @!p0 $0x108  }
0x21: {  	s3 =	sadd.s32 s3, s9;
	s6 =	sadd.s32 @!p0 $0x88, s6;
	s7 =	simm.s32 @p2 $0x1082  }
0x22: {  	[simem:s7], [sflag:s8] =	dma.local @!p0 [hbm:s6], $0xF7A  }
0x23: {  	s9 =	sor.u32 $0xD0000000, s2;
	s6 =	simm.s32 $0x108;
	_ =	swait.ge @!p0 [sflag:s8], $0x0  }
0x24: {  	s3 =	sadd.s32 $0x88, s3;
	s6 =	simm.s32 @!p1 $0x1082;
	[sflag:s4] =	ssyncset.s32 $0xFFFFF086  }
0x25: {  	[simem:s6], [sflag:s4] =	dma.local [hbm:s3], $0xF7A  }
0x26: {  	[smem:$0x3F99] =	sst s1;
	(tag) =	ssettag s2;
	_ =	strace s9  }
0x27: {  	s1 =	sld [smem:$0x3FA9]  }
0x28: {  	s2 =	sld [smem:$0x3FAA]  }
0x29: {  	s4 =	sld [smem:$0x3FAC]  }
0x2a: {  	p0 =	seq.s32 s5, $0x0;
	s5 =	sld [smem:$0x3FAD]  }
0x2b: {  	s6 =	sld [smem:$0x3FAE]  }
0x2c: {  	s7 =	sld [smem:$0x3FAF]  }
0x2d: {  	s3 =	simm.s32 $0x108;
	s8 =	sld [smem:$0x3FB0]  }
0x2e: {  	s3 =	simm.s32 @!p0 $0x1082;
	s9 =	sld [smem:$0x3FB1]  }
0x2f: {  	lr =	sadd.s32 s0, s3;
	s0 =	sld [smem:$0x3FA8]  }
0x30: {  	s3 =	sld [smem:$0x3FAB]  }
0x31: {  	[smem:$0x3FB4] =	sst s10  }
0x32: {  	s10 =	sld [smem:$0x3FB2];
	_ =	sdelay $0x3  }
0x33: {  	p0 =	seq.s32 s10, $0x1;
	s10 =	sld [smem:$0x3FB4];
	_ =	sdelay $0x3  }
0x34: {  	[smem:$0x3FB4] =	sst s10  }
0x35: {  	s10 =	sld [smem:$0x3FB3];
	_ =	sdelay $0x3  }
0x36: {  	p1 =	seq.s32 s10, $0x1;
	s10 =	sld [smem:$0x3FB4];
	_ =	sdelay $0x3  }
0x37: {  	[smem:$0x3FB4] =	sst s10  }
0x38: {  	s10 =	sld [smem:$0x3FB5]  }
0x39: {  	_ = 	snop;
	(pc) =	sbr.ind lr, $3  }
0x3a: {  	_ = 	snop  }
0x3b: {  	_ = 	snop  }
0x3c: {  	p2 =	seq.s32 s10, $0x1;
	s10 =	sld [smem:$0x3FB4]  }
0x3d: {  	_ =	shalt  }
0x3e: {  	_ =	shalt  }
0x3f: {  	_ =	shalt  }
0x40: {  	_ =	shalt  }
0x41: {  	_ =	shalt  }
0x42: {  	_ =	shalt  }
0x43: {  	_ =	shalt  }
0x44: {  	_ =	shalt  }
0x45: {  	_ =	shalt  }
0x46: {  	_ =	shalt  }
0x47: {  	_ =	shalt  }
0x48: {  	_ =	shalt  }
0x49: {  	_ =	shalt  }
0x4a: {  	_ =	shalt  }
0x4b: {  	_ =	shalt  }
0x4c: {  	_ =	shalt  }
0x4d: {  	_ =	shalt  }
0x4e: {  	_ =	shalt  }
0x4f: {  	_ =	shalt  }
0x50: {  	_ =	shalt  }
0x51: {  	_ =	shalt  }
0x52: {  	_ =	shalt  }
0x53: {  	_ =	shalt  }
0x54: {  	_ =	shalt  }
0x55: {  	_ =	shalt  }
0x56: {  	_ =	shalt  }
0x57: {  	_ =	shalt  }
0x58: {  	_ =	shalt  }
0x59: {  	_ =	shalt  }
0x5a: {  	_ =	shalt  }
0x5b: {  	_ =	shalt  }
0x5c: {  	_ =	shalt  }
0x5d: {  	_ =	shalt  }
0x5e: {  	_ =	shalt  }
0x5f: {  	_ =	shalt  }
0x60: {  	_ =	shalt  }
0x61: {  	_ =	shalt  }
0x62: {  	_ =	shalt  }
0x63: {  	_ =	shalt  }
0x64: {  	_ =	shalt  }
0x65: {  	_ =	shalt  }
0x66: {  	_ =	shalt  }
0x67: {  	_ =	shalt  }
0x68: {  	_ =	shalt  }
0x69: {  	_ =	shalt  }
0x6a: {  	_ =	shalt  }
0x6b: {  	_ =	shalt  }
0x6c: {  	_ =	shalt  }
0x6d: {  	_ =	shalt  }
0x6e: {  	_ =	shalt  }
0x6f: {  	_ =	shalt  }
0x70: {  	_ =	shalt  }
0x71: {  	_ =	shalt  }
0x72: {  	_ =	shalt  }
0x73: {  	_ =	shalt  }
0x74: {  	_ =	shalt  }
0x75: {  	_ =	shalt  }
0x76: {  	_ =	shalt  }
0x77: {  	_ =	shalt  }
0x78: {  	_ =	shalt  }
0x79: {  	_ =	shalt  }
0x7a: {  	_ =	shalt  }
0x7b: {  	_ =	shalt  }
0x7c: {  	_ =	shalt  }
0x7d: {  	_ =	shalt  }
0x7e: {  	_ =	shalt  }
0x7f: {  	_ =	shalt  }
0x80: {  	_ =	shalt  }
0x81: {  	_ =	shalt  }
0x82: {  	_ =	shalt  }
0x83: {  	_ =	shalt  }
0x84: {  	_ =	shalt  }
0x85: {  	_ =	shalt  }
0x86: {  	_ =	shalt  }
0x87: {  	_ =	shalt  }
.Lfunc_end0:
.L_simem_size_0:
called_computation_lowered:
.L_overlay_start_0:
0x88: {  	s2 =	sld [smem:$0x3FD9]  }
0x89: {  	s3 =	sld [smem:$0x3FFE];
	_ =	sdelay $0x1  }
0x8a: {  	s1 =	srdreg.scid  }
0x8b: {  	s0 =	sand.u32 $0x1, s1  }
0x8c: {  	s16 =	sshll.u32 s0, $0xA;
	s2 =	sadd.s32 s3, s2  }
0x8d: {  	s2 =	sadd.s32 s2, s16  }
0x8e: {  	[smem:$0x3FC0] =	sst s2  }
0x8f: {  	_ = 	snop  }
0x90: {  	(tm) =	ssettm $0x1  }
0x91: {  	s17 =	sld [smem:$0x3FFB];
	_ =	sdelay $0x3  }
0x92: {  	_ =	strace s17  }
0x93: {  	s2 =	sld [smem:$0x3FFC];
	_ =	sdelay $0x3  }
0x94: {  	_ =	strace s2  }
0x95: {  	s2 =	sld [smem:$0x3FFD];
	_ =	sdelay $0x3  }
0x96: {  	_ =	strace s2  }
0x97: {  	_ =	strace $0x8FFFFFFF  }
0x98: {  	s18 =	sld [smem:$0x3FDB];
	_ =	sdelay $0x1  }
0x99: {  	s19 =	simm.s32 $_scs_section_size  }
0x9a: {  	s4 =	simm.s32 $_size__tile_overlayer_lowered;
	s5 =	simm.s32 $_tile_overlayer_lowered  }
0x9b: {  	s22 =	simm.s32 $0x1BFF;
	s21 =	sshll.u32 s5, $0x1;
	s2 =	sadd.s32 s19, s18  }
0x9c: {  	s6 =	simm.s32 $0x0;
	s20 =	sshll.u32 s4, $0x1;
	s4 =	sadd.s32 s21, s2  }
0x9d: {  	[timem:s6], [sflag:s22] =	dma.local [hbm:s4], s20  }
0x9e: {  	_ =	swait.ge [sflag:s22], s20  }
0x9f: {  	s3 =	ssub.s32 $0x0, s20;
	[sflag:s22] =	ssyncset.done $0x0  }
0xa0: {  	[sflag:s22] =	ssyncadd.s32 s3;
	_ =	sdelay $0x1  }
0xa1: {  	s23 =	simm.s32 $0x1B8B  }
0xa2: {  	_ =	swait.ge [sflag:s23], $0x1  }
0xa3: {  	[sflag:s23] =	ssyncset.done $0x0  }
0xa4: {  	s25 =	simm.s32 $0x1B8E;
	s24 =	sld [smem:$0x3FFE];
	[sflag:s23] =	ssyncadd.s32 $0xFFFFFFFF  }
0xa5: {  	s26 =	simm.s32 $execute0_lowered;
	[smem:$0x3FD2] =	sst s25  }
0xa6: {  	s4 =	sshll.u32 s26, $0x1;
	_ =	strace $0x80000046;
	[dreg:$0x1] =	wrdreg $0xFFFFFFFF  }
0xa7: {  	s28 =	simm.s32 $_size_execute0_lowered;
	s2 =	sadd.s32 s2, s4;
	[dreg:$0x0] =	wrdreg $0x0  }
0xa8: {  	s4 =	sshll.u32 s28, $0x1;
	[dreg:$0x2] =	wrdreg s2  }
0xa9: {  	[dreg:$0x3] =	wrdreg s4  }
0xaa: {  	[dreg:$0x4] =	wrdreg $0xC0  }
0xab: {  	_ =	task [dreg:s6], $0x5FFFF  }
0xac: {  	[dreg:$0x1] =	wrdreg $0xFFFFFFFF  }
0xad: {  	[dreg:$0x0] =	wrdreg $0x60  }
0xae: {  	[dreg:$0x2] =	wrdreg s24  }
0xaf: {  	[dreg:$0x3] =	wrdreg $0x9  }
0xb0: {  	_ =	task.clear_ibuf [dreg:s6], $0x4FFFF;
	_ =	strace $0x90000046  }
0xb1: {  	s29 =	simm.s32 $0x9;
	_ =	strace $0x80000048  }
0xb2: {  	_ =	swait.ge [sflag:s29], $0x1  }
0xb3: {  	[sflag:s29] =	ssyncadd.s32 $0xFFFFFFFF  }
0xb4: {  	_ =	strace $0x90000048  }
0xb5: {  	_ =	sfence  }
0xb6: {  	s30 =	sld [smem:$0x0];
	_ =	sdelay $0x2  }
0xb7: {  	s31 =	sshll.u32 s1, $0xD;
	s1 =	sshrl.u32 s1, $0x2  }
0xb8: {  	s3 =	sand.u32 $0x4000, s31;
	s1 =	sadd.s32 s1, s30  }
0xb9: {  	s0 =	sor.u32 s3, s0;
	s1 =	sshll.u32 s1, $0x11  }
0xba: {  	s0 =	sor.u32 s1, s0  }
0xbb: {  	s0 =	sadd.s32 $0x8F2B, s0  }
0xbc: {  	[sflag:s0] =	ssyncadd.remote.s32 $0x1  }
0xbd: {  	_ =	sfence.sel $0xFFFF  }
0xbe: {  	[dreg:$0x0] =	wrdreg $0xFFFFFFFF;
	(pc) =	sbr.abs _section_cstart, $3  }
0xbf: {  	[dreg:$0x1] =	wrdreg $0xFFFFFFFF  }
0xc0: {  	_ =	task.clear_ibuf [dreg:s6], $0x2FFFF;
	_ =	strace $0x9FFFFFFF  }
0xc1: {  	(tm) =	ssettm $0x7FFFFFFF  }
tec
execute0_lowered:
.L_overlay_start_1:
0x0: {  	(tag) =	ssettag $0x1  }
0x1: {  	s0 =	rddreg [dreg:$0x0];
	s1 =	simm.s32 $0x0  }
0x2: {  	s2 =	srdreg.scid;
	s5 =	stileid.u32;
	s28 =	simm.s32 $0x16000  }
0x3: {  	s29 =	simm.s32 $0x4;
	s31 =	simm.s32 $0x18000;
	[smem:$0x7FF] =	sst s1  }
0x4: {  	s30 =	simm.s32 $0x6;
	s3 =	sadd.s32 $0x802600, s0;
	s4 =	sadd.s32 $0xE02600, s0  }
0x5: {  	s2 =	sand.u32 $0x1, s2;
	s6 =	sshll.u32 s5, $0x14;
	s5 =	sadd.s32 $0x402600, s0  }
0x6: {  	_ =	strace $0x80000047;
	s7 =	sshll.u32 s2, $0x13;
	s2 =	ssub.s32 $0x2, s2  }
0x7: {  	s8 =	sor.u32 s7, s6;
	s6 =	sadd.s32 $0xA02600, s0;
	s9 =	sshrl.u32 s2, $0x1  }
0x8: {  	s7 =	sadd.s32 $0x1002600, s0;
	s0 =	simm.s32 $0x5;
	s14 =	sshrl.u32 s8, $0x3  }
0x9: {  	s19 =	ssub.s32 s2, s9;
	s23 =	sshrl.u32 s8, $0x2;
	s10 =	sor.u32 $0x2000, s8  }
0xa: {  	s11 =	sadd.s32 $0x7FFFF000, s8;
	s12 =	sor.u32 $0x3000, s8;
	s13 =	sshll.u32 s8, $0x1  }
0xb: {  	s20 =	sor.u32 $0x200, s14;
	s21 =	sadd.s32 s4, s14;
	s9 =	sor.u32 $0x1FC00, s23  }
0xc: {  	s25 =	sadd.s32 s5, s14;
	s18 =	smax.u32 s19, $0x1;
	[dreg:$0x2] =	wrdreg s21  }
0xd: {  	s19 =	simm.s32 $0x1000;
	s22 =	sadd.s32 s4, s20;
	[dreg:$0x5] =	wrdreg s25  }
0xe: {  	v2 =	vlaneseq.u32;
	s23 =	simm.s32 $0x2;
	s24 =	sadd.s32 s6, s9;
	[dreg:$0x3] =	wrdreg s22  }
0xf: {  	v0 =	vshrl.u32 v2, $0x1;
	s2 =	sadd.s32 s5, s20;
	s26 =	sadd.s32 s7, s9;
	[dreg:$0x4] =	wrdreg s24  }
0x10: {  	v1 =	vmul.u32 $0x8, v0;
	s20 =	simm.s32 $0x1;
	s21 =	simm.s32 $0x2000;
	[dreg:$0x6] =	wrdreg s2  }
0x11: {  	s25 =	simm.s32 $0xE000;
	[dreg:$0x7] =	wrdreg s26;
	s22 =	simm.s32 $0x6000  }
0x12: {  	v2 =	vand.u32 $0x1, v2;
	v4 =	vor.u32 $0x8, v0;
	v3 =	vor.u32 $0x40, v1;
	s24 =	simm.s32 $0x3000;
	s26 =	simm.s32 $0x3;
	s2 =	simm.s32 $0x0  }
.LBB2_1:
0x13: {  	s8 =	rddreg [dreg:$0x2]  }
0x14: {  	[tilespmem:s1], [sflag:$0x1] =	stream.linear.gather [hbm4b:s8+s1], $0x1000, $0x38;
	[tilespmem:$0x1A000] =	vst v63  }
0x15: {  	s17 =	rddreg [dreg:$0x3];
	s8 =	simm.s32 $0x0  }
0x16: {  	[tilespmem:s19], [sflag:$0x2] =	stream.linear.gather [hbm4b:s17+s1], $0x1000, $0x38;
	[tilespmem:$0x1A000] =	vst v63  }
.LBB2_2:
0x17: {  	_ =	swait.ge [sflag:s20], $0x1000  }
0x18: {  	[sflag:s20] =	ssyncset.done $0x0  }
0x19: {  	s9 =	simm.s32 $0x0;
	[sflag:s20] =	ssyncadd.s32 $0xFFFFF000  }
0x1a: {  	v5 =	vld [tilespmem:s9+$0x0]  }
0x1b: {  	s14 =	simm.s32 $0x40  }
.LBB2_3:
0x1c: {  	p0 =	sne.s32 s14, $0x3FC0  }
.Ltmp0:
0x1d: {  	_ = 	snop;
	(pc) =	sbr.rel @p0 .LBB2_3-.Ltmp0, $4  }
0x1e: {  	_ = 	snop  }
0x1f: {  	s15 =	sshra.s32 s14, $0x2;
	s14 =	sadd.s32 $0x40, s14;
	v6 =	vshra.s32 v5, $0x2;
	v7 =	vshll.u32 v5, $0x1  }
0x20: {  	v5 =	vld [tilespmem:s15+$0x0];
	[tilespmem:s9+$0x2000] =	vst v6;
	v6 =	vand.u32 $0x6, v7  }
0x21: {  	[tilespmem:s9+$0x4000] =	vst v6;
	s9 =	smov.u32 s15  }
0x22: {  	_ =	sdelay $0x2  }
0x23: {  	p0 =	seq.s32 s8, $0x3F;
	v6 =	vshra.s32 v5, $0x2;
	v5 =	vshll.u32 v5, $0x1  }
0x24: {  	p1 =	seq.s32 @!p0 s8, $0x0;
	[tilespmem:s9+$0x2000] =	vst v6;
	v5 =	vand.u32 $0x6, v5  }
0x25: {  	p1 =	por p0, !p1;
	[tilespmem:s9+$0x4000] =	vst v5  }
0x26: {  	[tilespmem:s22], [sflag:$0x3] =	stream.indirect.gather [hbm4b:s3+s19], $0x8, s21, s19, $0xb8;
	[tilespmem:$0x1A000] =	vst v63  }
.Ltmp1:
0x27: {  	s9 =	sshll.u32 @!p0 s8, $0xD;
	(pc) =	sbr.rel @!p1 .LBB2_8-.Ltmp1, $4  }
0x28: {  	s14 =	sadd.s32 @!p0 s9, s10  }
0x29: {  	s14 =	sshrl.u32 @!p0 s14, $0x3  }
0x2a: {  	s15 =	simm.s32 @!p0 $0x0;
	s14 =	sadd.s32 @!p0 s4, s14  }
0x2b: {  	[tilespmem:s15], [sflag:$0x1] =	stream.linear.gather @!p0 [hbm4b:s14+s15], $0x1000, $0x38;
	[tilespmem:$0x1A000] =	vst v63  }
0x2c: {  	_ =	swait.ge [sflag:s29], $0x8000  }
0x2d: {  	p1 =	seq.s32 s8, $0x1;
	[sflag:s29] =	ssyncset.done $0x0  }
0x2e: {  	s14 =	simm.s32 @!p1 $0x6;
	[sflag:s29] =	ssyncadd.s32 $0xFFFF8000  }
0x2f: {  	_ =	swait.ge @!p1 [sflag:s14], $0x2000  }
0x30: {  	[sflag:s14] =	ssyncset.done @!p1 $0x0  }
0x31: {  	s16 =	simm.s32 $0x5000;
	[sflag:s14] =	ssyncadd.s32 @!p1 $0xFFFFE000  }
0x32: {  	v5 =	vld [tilespmem:s16+$0x0];
	_ =	sdelay $0x4  }
0x33: {  	s17 =	simm.s32 $0x0;
	v6 =	vperm.xlane v5, v0  }
0x34: {  	v7 =	vmov s17  }
0x35: {  	v7 =	vshll.u32 v7, $0x3;
	v6 =	vadd.s32 v2, v6  }
0x36: {  	v9 =	vor.u32 v1, v7;
	v8 =	vand.u32 $0xFFFFFFF8, v6  }
0x37: {  	v6 =	vand.u32 $0x7, v6;
	v8 =	vadd.s32 v9, v8  }
0x38: {  	v6 =	vor.u32 v6, v8  }
0x39: {  	v5 =	vperm.xlane v5, v4;
	_ =	sdelay $0x1  }
0x3a: {  	v5 =	vadd.s32 v2, v5  }
0x3b: {  	v7 =	vor.u32 v3, v7;
	v63 =	vand.u32 $0xFFFFFFF8, v5  }
0x3c: {  	v5 =	vand.u32 $0x7, v5;
	v7 =	vadd.s32 v7, v63;
	v6 =	vld.idx.msk [tilespmem:v6+s25+$0x0], $0xffff  }
0x3d: {  	v5 =	vor.u32 v5, v7;
	_ =	sdelay $0x2  }
0x3e: {  	s14 =	simm.s32 $0x18010  }
0x3f: {  	[tilespmem:s14+$0xFFFFFFF0] =	vst v6  }
0x40: {  	v5 =	vld.idx.msk [tilespmem:v5+s25+$0x0], $0xffff;
	_ =	sdelay $0x4  }
0x41: {  	s16 =	simm.s32 $0x5010;
	[tilespmem:s14+$0x0] =	vst v5  }
0x42: {  	s15 =	simm.s32 $0x10;
	s17 =	simm.s32 $0x20;
	v5 =	vld [tilespmem:s16+$0x0]  }
.LBB2_6:
0x43: {  	p1 =	sne.s32 s17, $0xFF0;
	_ =	sdelay $0x3  }
0x44: {  	v6 =	vperm.xlane v5, v0;
	v5 =	vperm.xlane v5, v4  }
0x45: {  	v7 =	vmov s15;
	s15 =	smov.u32 s17  }
0x46: {  	v7 =	vshll.u32 v7, $0x3;
	v6 =	vadd.s32 v2, v6  }
0x47: {  	v9 =	vor.u32 v1, v7;
	v8 =	vand.u32 $0xFFFFFFF8, v6  }
0x48: {  	v6 =	vand.u32 $0x7, v6;
	v8 =	vadd.s32 v9, v8  }
0x49: {  	v6 =	vor.u32 v6, v8;
	_ =	sdelay $0x3  }
0x4a: {  	v5 =	vadd.s32 v2, v5  }
0x4b: {  	v7 =	vor.u32 v3, v7;
	v8 =	vand.u32 $0xFFFFFFF8, v5;
	v6 =	vld.idx.msk [tilespmem:v6+s25+$0x0], $0xffff  }
0x4c: {  	v5 =	vand.u32 $0x7, v5;
	v7 =	vadd.s32 v7, v8  }
0x4d: {  	v5 =	vor.u32 v5, v7;
	_ =	sdelay $0x2  }
0x4e: {  	s14 =	sadd.s32 $0x20, s14  }
0x4f: {  	[tilespmem:s14+$0xFFFFFFF0] =	vst v6  }
0x50: {  	v5 =	vld.idx.msk [tilespmem:v5+s25+$0x0], $0xffff;
	_ =	sdelay $0x2  }
.Ltmp2:
0x51: {  	(pc) =	sbr.rel @p1 .LBB2_6-.Ltmp2, $3  }
0x52: {  	_ =	sdelay $0x1  }
0x53: {  	s16 =	sadd.s32 $0x10, s16;
	[tilespmem:s14+$0x0] =	vst v5  }
0x54: {  	s17 =	sadd.s32 $0x10, s17;
	v5 =	vld [tilespmem:s16+$0x0]  }
0x55: {  	_ =	sdelay $0x3  }
0x56: {  	v6 =	vperm.xlane v5, v0  }
0x57: {  	v7 =	vmov s15  }
0x58: {  	v7 =	vshll.u32 v7, $0x3;
	v6 =	vadd.s32 v2, v6  }
0x59: {  	v9 =	vor.u32 v1, v7;
	v8 =	vand.u32 $0xFFFFFFF8, v6  }
0x5a: {  	v6 =	vand.u32 $0x7, v6;
	v8 =	vadd.s32 v9, v8  }
0x5b: {  	v6 =	vor.u32 v6, v8  }
0x5c: {  	v5 =	vperm.xlane v5, v4;
	_ =	sdelay $0x1  }
0x5d: {  	v5 =	vadd.s32 v2, v5  }
0x5e: {  	v7 =	vor.u32 v3, v7;
	v63 =	vand.u32 $0xFFFFFFF8, v5  }
0x5f: {  	v5 =	vand.u32 $0x7, v5;
	v7 =	vadd.s32 v7, v63;
	v6 =	vld.idx.msk [tilespmem:v6+s25+$0x0], $0xffff  }
0x60: {  	v5 =	vor.u32 v5, v7;
	_ =	sdelay $0x2  }
0x61: {  	s14 =	sadd.s32 $0x20, s14  }
0x62: {  	[tilespmem:s14+$0xFFFFFFF0] =	vst v6  }
0x63: {  	v5 =	vld.idx.msk [tilespmem:v5+s25+$0x0], $0xffff  }
0x64: {  	s16 =	sshll.u32 s8, $0xD  }
0x65: {  	s15 =	sadd.s32 s16, s11  }
0x66: {  	s15 =	sshrl.u32 s15, $0x2  }
0x67: {  	s15 =	sand.u32 $0x1FFFFC00, s15  }
0x68: {  	s17 =	sadd.s32 s6, s15;
	[tilespmem:s14+$0x0] =	vst v5  }
0x69: {  	[hbm4b:s17+s1] =	stream.linear.scatter [tilespmem:s31], [sflag:$0x6], $0x2000, $0x38;
	[tilespmem:$0x1A000] =	vst v63  }
.LBB2_8:
0x6a: {  	_ =	swait.ge [sflag:s23], $0x1000  }
0x6b: {  	[sflag:s23] =	ssyncset.done $0x0  }
0x6c: {  	s14 =	simm.s32 $0x0;
	[sflag:s23] =	ssyncadd.s32 $0xFFFFF000  }
0x6d: {  	v5 =	vld [tilespmem:s14+$0x1000]  }
0x6e: {  	s15 =	simm.s32 $0x40  }
.LBB2_9:
0x6f: {  	p1 =	sne.s32 s15, $0x3FC0  }
.Ltmp3:
0x70: {  	_ = 	snop;
	(pc) =	sbr.rel @p1 .LBB2_9-.Ltmp3, $4  }
0x71: {  	_ = 	snop  }
0x72: {  	s16 =	sshra.s32 s15, $0x2;
	s15 =	sadd.s32 $0x40, s15;
	v6 =	vshra.s32 v5, $0x2;
	v7 =	vshll.u32 v5, $0x1  }
0x73: {  	v5 =	vld [tilespmem:s16+$0x1000];
	[tilespmem:s14+$0x3000] =	vst v6;
	v6 =	vand.u32 $0x6, v7  }
0x74: {  	[tilespmem:s14+$0x5000] =	vst v6;
	s14 =	smov.u32 s16  }
0x75: {  	_ =	sdelay $0x2  }
0x76: {  	v6 =	vshra.s32 v5, $0x2;
	v5 =	vshll.u32 v5, $0x1  }
0x77: {  	s9 =	sadd.s32 @!p0 s9, s12;
	[tilespmem:s14+$0x3000] =	vst v6;
	v5 =	vand.u32 $0x6, v5  }
0x78: {  	s9 =	sshrl.u32 @!p0 s9, $0x3;
	[tilespmem:s14+$0x5000] =	vst v5  }
0x79: {  	[tilespmem:s25], [sflag:$0x4] =	stream.indirect.gather [hbm4b:s3+s19], $0x8, s24, s19, $0xb8;
	[tilespmem:$0x1A000] =	vst v63  }
0x7a: {  	s15 =	simm.s32 @!p0 $0x1000;
	s9 =	sadd.s32 @!p0 s4, s9;
	s14 =	simm.s32 @!p0 $0x0  }
0x7b: {  	[tilespmem:s15], [sflag:$0x2] =	stream.linear.gather @!p0 [hbm4b:s9+s14], $0x1000, $0x38;
	[tilespmem:$0x1A000] =	vst v63  }
0x7c: {  	_ =	swait.ge [sflag:s26], $0x8000  }
0x7d: {  	p0 =	seq.s32 s8, $0x0;
	[sflag:s26] =	ssyncset.done $0x0  }
0x7e: {  	s9 =	simm.s32 @!p0 $0x5;
	[sflag:s26] =	ssyncadd.s32 $0xFFFF8000  }
0x7f: {  	_ =	swait.ge @!p0 [sflag:s9], $0x2000  }
0x80: {  	[sflag:s9] =	ssyncset.done @!p0 $0x0  }
0x81: {  	s16 =	simm.s32 $0x4000;
	[sflag:s9] =	ssyncadd.s32 @!p0 $0xFFFFE000  }
0x82: {  	v5 =	vld [tilespmem:s16+$0x0];
	_ =	sdelay $0x4  }
0x83: {  	s17 =	simm.s32 $0x0;
	v6 =	vperm.xlane v5, v0  }
0x84: {  	v7 =	vmov s17  }
0x85: {  	v7 =	vshll.u32 v7, $0x3;
	v6 =	vadd.s32 v2, v6  }
0x86: {  	v9 =	vor.u32 v1, v7;
	v8 =	vand.u32 $0xFFFFFFF8, v6  }
0x87: {  	v6 =	vand.u32 $0x7, v6;
	v8 =	vadd.s32 v9, v8  }
0x88: {  	v6 =	vor.u32 v6, v8  }
0x89: {  	v5 =	vperm.xlane v5, v4;
	_ =	sdelay $0x1  }
0x8a: {  	v5 =	vadd.s32 v2, v5  }
0x8b: {  	v7 =	vor.u32 v3, v7;
	v63 =	vand.u32 $0xFFFFFFF8, v5  }
0x8c: {  	v5 =	vand.u32 $0x7, v5;
	v7 =	vadd.s32 v7, v63;
	v6 =	vld.idx.msk [tilespmem:v6+s22+$0x0], $0xffff  }
0x8d: {  	v5 =	vor.u32 v5, v7;
	_ =	sdelay $0x2  }
0x8e: {  	s9 =	simm.s32 $0x16010  }
0x8f: {  	[tilespmem:s9+$0xFFFFFFF0] =	vst v6  }
0x90: {  	v5 =	vld.idx.msk [tilespmem:v5+s22+$0x0], $0xffff;
	_ =	sdelay $0x4  }
0x91: {  	s15 =	simm.s32 $0x4010;
	[tilespmem:s9+$0x0] =	vst v5  }
0x92: {  	s14 =	simm.s32 $0x10;
	s16 =	simm.s32 $0x20;
	v5 =	vld [tilespmem:s15+$0x0]  }
.LBB2_11:
0x93: {  	p0 =	sne.s32 s16, $0xFF0;
	_ =	sdelay $0x3  }
0x94: {  	v6 =	vperm.xlane v5, v0;
	v5 =	vperm.xlane v5, v4  }
0x95: {  	v7 =	vmov s14;
	s14 =	smov.u32 s16  }
0x96: {  	v7 =	vshll.u32 v7, $0x3;
	v6 =	vadd.s32 v2, v6  }
0x97: {  	v9 =	vor.u32 v1, v7;
	v8 =	vand.u32 $0xFFFFFFF8, v6  }
0x98: {  	v6 =	vand.u32 $0x7, v6;
	v8 =	vadd.s32 v9, v8  }
0x99: {  	v6 =	vor.u32 v6, v8;
	_ =	sdelay $0x3  }
0x9a: {  	v5 =	vadd.s32 v2, v5  }
0x9b: {  	v7 =	vor.u32 v3, v7;
	v8 =	vand.u32 $0xFFFFFFF8, v5;
	v6 =	vld.idx.msk [tilespmem:v6+s22+$0x0], $0xffff  }
0x9c: {  	v5 =	vand.u32 $0x7, v5;
	v7 =	vadd.s32 v7, v8  }
0x9d: {  	v5 =	vor.u32 v5, v7;
	_ =	sdelay $0x2  }
0x9e: {  	s9 =	sadd.s32 $0x20, s9  }
0x9f: {  	[tilespmem:s9+$0xFFFFFFF0] =	vst v6  }
0xa0: {  	v5 =	vld.idx.msk [tilespmem:v5+s22+$0x0], $0xffff;
	_ =	sdelay $0x2  }
.Ltmp4:
0xa1: {  	(pc) =	sbr.rel @p0 .LBB2_11-.Ltmp4, $3  }
0xa2: {  	_ =	sdelay $0x1  }
0xa3: {  	s15 =	sadd.s32 $0x10, s15;
	[tilespmem:s9+$0x0] =	vst v5  }
0xa4: {  	s16 =	sadd.s32 $0x10, s16;
	v5 =	vld [tilespmem:s15+$0x0]  }
0xa5: {  	_ =	sdelay $0x3  }
0xa6: {  	v6 =	vperm.xlane v5, v0  }
0xa7: {  	v7 =	vmov s14  }
0xa8: {  	v7 =	vshll.u32 v7, $0x3;
	v6 =	vadd.s32 v2, v6  }
0xa9: {  	v9 =	vor.u32 v1, v7;
	v8 =	vand.u32 $0xFFFFFFF8, v6  }
0xaa: {  	v6 =	vand.u32 $0x7, v6;
	v8 =	vadd.s32 v9, v8  }
0xab: {  	v6 =	vor.u32 v6, v8  }
0xac: {  	v5 =	vperm.xlane v5, v4;
	_ =	sdelay $0x1  }
0xad: {  	v5 =	vadd.s32 v2, v5  }
0xae: {  	v7 =	vor.u32 v3, v7;
	v63 =	vand.u32 $0xFFFFFFF8, v5  }
0xaf: {  	v5 =	vand.u32 $0x7, v5;
	v7 =	vadd.s32 v7, v63;
	v6 =	vld.idx.msk [tilespmem:v6+s22+$0x0], $0xffff  }
0xb0: {  	v5 =	vor.u32 v5, v7;
	_ =	sdelay $0x2  }
0xb1: {  	s9 =	sadd.s32 $0x20, s9  }
0xb2: {  	[tilespmem:s9+$0xFFFFFFF0] =	vst v6  }
0xb3: {  	s16 =	sshll.u32 s8, $0xE;
	s8 =	sadd.s32 $0x1, s8;
	v5 =	vld.idx.msk [tilespmem:v5+s22+$0x0], $0xffff  }
0xb4: {  	p0 =	sne.s32 s8, $0x40  }
.Ltmp5:
0xb5: {  	_ = 	snop;
	(pc) =	sbr.rel @p0 .LBB2_2-.Ltmp5, $4  }
0xb6: {  	s14 =	sadd.s32 s13, s16  }
0xb7: {  	s14 =	sshrl.u32 s14, $0x3  }
0xb8: {  	s17 =	sadd.s32 s6, s14;
	[tilespmem:s9+$0x0] =	vst v5  }
0xb9: {  	[hbm4b:s17+s1] =	stream.linear.scatter [tilespmem:s28], [sflag:$0x5], $0x2000, $0x38;
	[tilespmem:$0x1A000] =	vst v63  }
0xba: {  	_ =	swait.ge [sflag:s29], $0x8000  }
0xbb: {  	[sflag:s29] =	ssyncset.done $0x0  }
0xbc: {  	[sflag:s29] =	ssyncadd.s32 $0xFFFF8000  }
0xbd: {  	_ =	swait.ge [sflag:s30], $0x2000  }
0xbe: {  	[sflag:s30] =	ssyncset.done $0x0  }
0xbf: {  	s8 =	simm.s32 $0x5000;
	[sflag:s30] =	ssyncadd.s32 $0xFFFFE000  }
0xc0: {  	v5 =	vld [tilespmem:s8+$0x0];
	_ =	sdelay $0x4  }
0xc1: {  	s17 =	simm.s32 $0x0;
	v6 =	vperm.xlane v5, v0  }
0xc2: {  	v7 =	vmov s17  }
0xc3: {  	v7 =	vshll.u32 v7, $0x3;
	v6 =	vadd.s32 v2, v6  }
0xc4: {  	v9 =	vor.u32 v1, v7;
	v8 =	vand.u32 $0xFFFFFFF8, v6  }
0xc5: {  	v6 =	vand.u32 $0x7, v6;
	v8 =	vadd.s32 v9, v8  }
0xc6: {  	v6 =	vor.u32 v6, v8  }
0xc7: {  	v5 =	vperm.xlane v5, v4;
	_ =	sdelay $0x1  }
0xc8: {  	v5 =	vadd.s32 v2, v5  }
0xc9: {  	v7 =	vor.u32 v3, v7;
	v63 =	vand.u32 $0xFFFFFFF8, v5  }
0xca: {  	v5 =	vand.u32 $0x7, v5;
	v7 =	vadd.s32 v7, v63;
	v6 =	vld.idx.msk [tilespmem:v6+s25+$0x0], $0xffff  }
0xcb: {  	v5 =	vor.u32 v5, v7;
	_ =	sdelay $0x2  }
0xcc: {  	s8 =	simm.s32 $0x18010  }
0xcd: {  	[tilespmem:s8+$0xFFFFFFF0] =	vst v6  }
0xce: {  	v5 =	vld.idx.msk [tilespmem:v5+s25+$0x0], $0xffff;
	_ =	sdelay $0x4  }
0xcf: {  	s14 =	simm.s32 $0x5010;
	[tilespmem:s8+$0x0] =	vst v5  }
0xd0: {  	s9 =	simm.s32 $0x10;
	s15 =	simm.s32 $0x20;
	v5 =	vld [tilespmem:s14+$0x0]  }
.LBB2_14:
0xd1: {  	p0 =	sne.s32 s15, $0xFF0;
	_ =	sdelay $0x3  }
0xd2: {  	v6 =	vperm.xlane v5, v0;
	v5 =	vperm.xlane v5, v4  }
0xd3: {  	v7 =	vmov s9;
	s9 =	smov.u32 s15  }
0xd4: {  	v7 =	vshll.u32 v7, $0x3;
	v6 =	vadd.s32 v2, v6  }
0xd5: {  	v9 =	vor.u32 v1, v7;
	v8 =	vand.u32 $0xFFFFFFF8, v6  }
0xd6: {  	v6 =	vand.u32 $0x7, v6;
	v8 =	vadd.s32 v9, v8  }
0xd7: {  	v6 =	vor.u32 v6, v8;
	_ =	sdelay $0x3  }
0xd8: {  	v5 =	vadd.s32 v2, v5  }
0xd9: {  	v7 =	vor.u32 v3, v7;
	v8 =	vand.u32 $0xFFFFFFF8, v5;
	v6 =	vld.idx.msk [tilespmem:v6+s25+$0x0], $0xffff  }
0xda: {  	v5 =	vand.u32 $0x7, v5;
	v7 =	vadd.s32 v7, v8  }
0xdb: {  	v5 =	vor.u32 v5, v7;
	_ =	sdelay $0x2  }
0xdc: {  	s8 =	sadd.s32 $0x20, s8  }
0xdd: {  	[tilespmem:s8+$0xFFFFFFF0] =	vst v6  }
0xde: {  	v5 =	vld.idx.msk [tilespmem:v5+s25+$0x0], $0xffff;
	_ =	sdelay $0x2  }
.Ltmp6:
0xdf: {  	(pc) =	sbr.rel @p0 .LBB2_14-.Ltmp6, $3  }
0xe0: {  	_ =	sdelay $0x1  }
0xe1: {  	s14 =	sadd.s32 $0x10, s14;
	[tilespmem:s8+$0x0] =	vst v5  }
0xe2: {  	s15 =	sadd.s32 $0x10, s15;
	v5 =	vld [tilespmem:s14+$0x0]  }
0xe3: {  	_ =	sdelay $0x3  }
0xe4: {  	v6 =	vperm.xlane v5, v0  }
0xe5: {  	v7 =	vmov s9  }
0xe6: {  	v7 =	vshll.u32 v7, $0x3;
	v6 =	vadd.s32 v2, v6  }
0xe7: {  	v9 =	vor.u32 v1, v7;
	v8 =	vand.u32 $0xFFFFFFF8, v6  }
0xe8: {  	v6 =	vand.u32 $0x7, v6;
	v8 =	vadd.s32 v9, v8  }
0xe9: {  	v6 =	vor.u32 v6, v8  }
0xea: {  	v5 =	vperm.xlane v5, v4;
	_ =	sdelay $0x1  }
0xeb: {  	v5 =	vadd.s32 v2, v5  }
0xec: {  	v7 =	vor.u32 v3, v7;
	v63 =	vand.u32 $0xFFFFFFF8, v5  }
0xed: {  	v5 =	vand.u32 $0x7, v5;
	v7 =	vadd.s32 v7, v63;
	v6 =	vld.idx.msk [tilespmem:v6+s25+$0x0], $0xffff  }
0xee: {  	v5 =	vor.u32 v5, v7;
	_ =	sdelay $0x2  }
0xef: {  	s8 =	sadd.s32 $0x20, s8  }
0xf0: {  	[tilespmem:s8+$0xFFFFFFF0] =	vst v6  }
0xf1: {  	v5 =	vld.idx.msk [tilespmem:v5+s25+$0x0], $0xffff;
	_ =	sdelay $0x4  }
0xf2: {  	s15 =	rddreg [dreg:$0x4];
	[tilespmem:s8+$0x0] =	vst v5;
	s8 =	simm.s32 $0x0  }
0xf3: {  	[hbm4b:s15+s8] =	stream.linear.scatter [tilespmem:s31], [sflag:$0x6], $0x2000, $0x38;
	[tilespmem:$0x1A000] =	vst v63  }
0xf4: {  	_ =	swait.ge [sflag:s0], $0x2000  }
0xf5: {  	[sflag:s0] =	ssyncset.done $0x0  }
0xf6: {  	[sflag:s0] =	ssyncadd.s32 $0xFFFFE000  }
0xf7: {  	_ =	swait.ge [sflag:s30], $0x2000  }
0xf8: {  	[sflag:s30] =	ssyncset.done $0x0  }
0xf9: {  	s16 =	rddreg [dreg:$0x5];
	[sflag:s30] =	ssyncadd.s32 $0xFFFFE000  }
0xfa: {  	[tilespmem:s8], [sflag:$0x1] =	stream.linear.gather [hbm4b:s16+s8], $0x1000, $0x38;
	[tilespmem:$0x1A000] =	vst v63  }
0xfb: {  	s17 =	rddreg [dreg:$0x6]  }
0xfc: {  	[tilespmem:s19], [sflag:$0x2] =	stream.linear.gather [hbm4b:s17+s8], $0x1000, $0x38;
	[tilespmem:$0x1A000] =	vst v63  }
.LBB2_16:
0xfd: {  	_ =	swait.ge [sflag:s20], $0x1000  }
0xfe: {  	[sflag:s20] =	ssyncset.done $0x0  }
0xff: {  	s9 =	simm.s32 $0x0;
	[sflag:s20] =	ssyncadd.s32 $0xFFFFF000  }
0x100: {  	v5 =	vld [tilespmem:s9+$0x0]  }
0x101: {  	s14 =	simm.s32 $0x40  }
.LBB2_17:
0x102: {  	p0 =	sne.s32 s14, $0x3FC0  }
.Ltmp7:
0x103: {  	_ = 	snop;
	(pc) =	sbr.rel @p0 .LBB2_17-.Ltmp7, $4  }
0x104: {  	_ = 	snop  }
0x105: {  	s15 =	sshra.s32 s14, $0x2;
	s14 =	sadd.s32 $0x40, s14;
	v6 =	vshra.s32 v5, $0x2;
	v7 =	vshll.u32 v5, $0x1  }
0x106: {  	v5 =	vld [tilespmem:s15+$0x0];
	[tilespmem:s9+$0x2000] =	vst v6;
	v6 =	vand.u32 $0x6, v7  }
0x107: {  	[tilespmem:s9+$0x4000] =	vst v6;
	s9 =	smov.u32 s15  }
0x108: {  	_ =	sdelay $0x2  }
0x109: {  	p0 =	seq.s32 s8, $0x3F;
	v6 =	vshra.s32 v5, $0x2;
	v5 =	vshll.u32 v5, $0x1  }
0x10a: {  	p1 =	seq.s32 @!p0 s8, $0x0;
	[tilespmem:s9+$0x2000] =	vst v6;
	v5 =	vand.u32 $0x6, v5  }
0x10b: {  	p1 =	por p0, !p1;
	[tilespmem:s9+$0x4000] =	vst v5  }
0x10c: {  	[tilespmem:s22], [sflag:$0x3] =	stream.indirect.gather [hbm4b:s3+s19], $0x8, s21, s19, $0xb8;
	[tilespmem:$0x1A000] =	vst v63  }
.Ltmp8:
0x10d: {  	s9 =	sshll.u32 @!p0 s8, $0xD;
	(pc) =	sbr.rel @!p1 .LBB2_22-.Ltmp8, $4  }
0x10e: {  	s14 =	sadd.s32 @!p0 s9, s10  }
0x10f: {  	s14 =	sshrl.u32 @!p0 s14, $0x3  }
0x110: {  	s15 =	simm.s32 @!p0 $0x0;
	s14 =	sadd.s32 @!p0 s5, s14  }
0x111: {  	[tilespmem:s15], [sflag:$0x1] =	stream.linear.gather @!p0 [hbm4b:s14+s15], $0x1000, $0x38;
	[tilespmem:$0x1A000] =	vst v63  }
0x112: {  	_ =	swait.ge [sflag:s29], $0x8000  }
0x113: {  	p1 =	seq.s32 s8, $0x1;
	[sflag:s29] =	ssyncset.done $0x0  }
0x114: {  	s14 =	simm.s32 @!p1 $0x6;
	[sflag:s29] =	ssyncadd.s32 $0xFFFF8000  }
0x115: {  	_ =	swait.ge @!p1 [sflag:s14], $0x2000  }
0x116: {  	[sflag:s14] =	ssyncset.done @!p1 $0x0  }
0x117: {  	s16 =	simm.s32 $0x5000;
	[sflag:s14] =	ssyncadd.s32 @!p1 $0xFFFFE000  }
0x118: {  	v5 =	vld [tilespmem:s16+$0x0];
	_ =	sdelay $0x4  }
0x119: {  	s17 =	simm.s32 $0x0;
	v6 =	vperm.xlane v5, v0  }
0x11a: {  	v7 =	vmov s17  }
0x11b: {  	v7 =	vshll.u32 v7, $0x3;
	v6 =	vadd.s32 v2, v6  }
0x11c: {  	v9 =	vor.u32 v1, v7;
	v8 =	vand.u32 $0xFFFFFFF8, v6  }
0x11d: {  	v6 =	vand.u32 $0x7, v6;
	v8 =	vadd.s32 v9, v8  }
0x11e: {  	v6 =	vor.u32 v6, v8  }
0x11f: {  	v5 =	vperm.xlane v5, v4;
	_ =	sdelay $0x1  }
0x120: {  	v5 =	vadd.s32 v2, v5  }
0x121: {  	v7 =	vor.u32 v3, v7;
	v63 =	vand.u32 $0xFFFFFFF8, v5  }
0x122: {  	v5 =	vand.u32 $0x7, v5;
	v7 =	vadd.s32 v7, v63;
	v6 =	vld.idx.msk [tilespmem:v6+s25+$0x0], $0xffff  }
0x123: {  	v5 =	vor.u32 v5, v7;
	_ =	sdelay $0x2  }
0x124: {  	s14 =	simm.s32 $0x18010  }
0x125: {  	[tilespmem:s14+$0xFFFFFFF0] =	vst v6  }
0x126: {  	v5 =	vld.idx.msk [tilespmem:v5+s25+$0x0], $0xffff;
	_ =	sdelay $0x4  }
0x127: {  	s16 =	simm.s32 $0x5010;
	[tilespmem:s14+$0x0] =	vst v5  }
0x128: {  	s15 =	simm.s32 $0x10;
	s17 =	simm.s32 $0x20;
	v5 =	vld [tilespmem:s16+$0x0]  }
.LBB2_20:
0x129: {  	p1 =	sne.s32 s17, $0xFF0;
	_ =	sdelay $0x3  }
0x12a: {  	v6 =	vperm.xlane v5, v0;
	v5 =	vperm.xlane v5, v4  }
0x12b: {  	v7 =	vmov s15;
	s15 =	smov.u32 s17  }
0x12c: {  	v7 =	vshll.u32 v7, $0x3;
	v6 =	vadd.s32 v2, v6  }
0x12d: {  	v9 =	vor.u32 v1, v7;
	v8 =	vand.u32 $0xFFFFFFF8, v6  }
0x12e: {  	v6 =	vand.u32 $0x7, v6;
	v8 =	vadd.s32 v9, v8  }
0x12f: {  	v6 =	vor.u32 v6, v8;
	_ =	sdelay $0x3  }
0x130: {  	v5 =	vadd.s32 v2, v5  }
0x131: {  	v7 =	vor.u32 v3, v7;
	v8 =	vand.u32 $0xFFFFFFF8, v5;
	v6 =	vld.idx.msk [tilespmem:v6+s25+$0x0], $0xffff  }
0x132: {  	v5 =	vand.u32 $0x7, v5;
	v7 =	vadd.s32 v7, v8  }
0x133: {  	v5 =	vor.u32 v5, v7;
	_ =	sdelay $0x2  }
0x134: {  	s14 =	sadd.s32 $0x20, s14  }
0x135: {  	[tilespmem:s14+$0xFFFFFFF0] =	vst v6  }
0x136: {  	v5 =	vld.idx.msk [tilespmem:v5+s25+$0x0], $0xffff;
	_ =	sdelay $0x2  }
.Ltmp9:
0x137: {  	(pc) =	sbr.rel @p1 .LBB2_20-.Ltmp9, $3  }
0x138: {  	_ =	sdelay $0x1  }
0x139: {  	s16 =	sadd.s32 $0x10, s16;
	[tilespmem:s14+$0x0] =	vst v5  }
0x13a: {  	s17 =	sadd.s32 $0x10, s17;
	v5 =	vld [tilespmem:s16+$0x0]  }
0x13b: {  	_ =	sdelay $0x3  }
0x13c: {  	v6 =	vperm.xlane v5, v0  }
0x13d: {  	v7 =	vmov s15  }
0x13e: {  	v7 =	vshll.u32 v7, $0x3;
	v6 =	vadd.s32 v2, v6  }
0x13f: {  	v9 =	vor.u32 v1, v7;
	v8 =	vand.u32 $0xFFFFFFF8, v6  }
0x140: {  	v6 =	vand.u32 $0x7, v6;
	v8 =	vadd.s32 v9, v8  }
0x141: {  	v6 =	vor.u32 v6, v8  }
0x142: {  	v5 =	vperm.xlane v5, v4;
	_ =	sdelay $0x1  }
0x143: {  	v5 =	vadd.s32 v2, v5  }
0x144: {  	v7 =	vor.u32 v3, v7;
	v63 =	vand.u32 $0xFFFFFFF8, v5  }
0x145: {  	v5 =	vand.u32 $0x7, v5;
	v7 =	vadd.s32 v7, v63;
	v6 =	vld.idx.msk [tilespmem:v6+s25+$0x0], $0xffff  }
0x146: {  	v5 =	vor.u32 v5, v7;
	_ =	sdelay $0x2  }
0x147: {  	s14 =	sadd.s32 $0x20, s14  }
0x148: {  	[tilespmem:s14+$0xFFFFFFF0] =	vst v6  }
0x149: {  	v5 =	vld.idx.msk [tilespmem:v5+s25+$0x0], $0xffff  }
0x14a: {  	s16 =	sshll.u32 s8, $0xD  }
0x14b: {  	s15 =	sadd.s32 s16, s11  }
0x14c: {  	s15 =	sshrl.u32 s15, $0x2  }
0x14d: {  	s15 =	sand.u32 $0x1FFFFC00, s15  }
0x14e: {  	s17 =	sadd.s32 s7, s15;
	[tilespmem:s14+$0x0] =	vst v5  }
0x14f: {  	[hbm4b:s17+s1] =	stream.linear.scatter [tilespmem:s31], [sflag:$0x6], $0x2000, $0x38;
	[tilespmem:$0x1A000] =	vst v63  }
.LBB2_22:
0x150: {  	_ =	swait.ge [sflag:s23], $0x1000  }
0x151: {  	[sflag:s23] =	ssyncset.done $0x0  }
0x152: {  	s14 =	simm.s32 $0x0;
	[sflag:s23] =	ssyncadd.s32 $0xFFFFF000  }
0x153: {  	v5 =	vld [tilespmem:s14+$0x1000]  }
0x154: {  	s15 =	simm.s32 $0x40  }
.LBB2_23:
0x155: {  	p1 =	sne.s32 s15, $0x3FC0  }
.Ltmp10:
0x156: {  	_ = 	snop;
	(pc) =	sbr.rel @p1 .LBB2_23-.Ltmp10, $4  }
0x157: {  	_ = 	snop  }
0x158: {  	s16 =	sshra.s32 s15, $0x2;
	s15 =	sadd.s32 $0x40, s15;
	v6 =	vshra.s32 v5, $0x2;
	v7 =	vshll.u32 v5, $0x1  }
0x159: {  	v5 =	vld [tilespmem:s16+$0x1000];
	[tilespmem:s14+$0x3000] =	vst v6;
	v6 =	vand.u32 $0x6, v7  }
0x15a: {  	[tilespmem:s14+$0x5000] =	vst v6;
	s14 =	smov.u32 s16  }
0x15b: {  	_ =	sdelay $0x2  }
0x15c: {  	v6 =	vshra.s32 v5, $0x2;
	v5 =	vshll.u32 v5, $0x1  }
0x15d: {  	s9 =	sadd.s32 @!p0 s9, s12;
	[tilespmem:s14+$0x3000] =	vst v6;
	v5 =	vand.u32 $0x6, v5  }
0x15e: {  	s9 =	sshrl.u32 @!p0 s9, $0x3;
	[tilespmem:s14+$0x5000] =	vst v5  }
0x15f: {  	[tilespmem:s25], [sflag:$0x4] =	stream.indirect.gather [hbm4b:s3+s19], $0x8, s24, s19, $0xb8;
	[tilespmem:$0x1A000] =	vst v63  }
0x160: {  	s15 =	simm.s32 @!p0 $0x1000;
	s9 =	sadd.s32 @!p0 s5, s9;
	s14 =	simm.s32 @!p0 $0x0  }
0x161: {  	[tilespmem:s15], [sflag:$0x2] =	stream.linear.gather @!p0 [hbm4b:s9+s14], $0x1000, $0x38;
	[tilespmem:$0x1A000] =	vst v63  }
0x162: {  	_ =	swait.ge [sflag:s26], $0x8000  }
0x163: {  	p0 =	seq.s32 s8, $0x0;
	[sflag:s26] =	ssyncset.done $0x0  }
0x164: {  	s9 =	simm.s32 @!p0 $0x5;
	[sflag:s26] =	ssyncadd.s32 $0xFFFF8000  }
0x165: {  	_ =	swait.ge @!p0 [sflag:s9], $0x2000  }
0x166: {  	[sflag:s9] =	ssyncset.done @!p0 $0x0  }
0x167: {  	s16 =	simm.s32 $0x4000;
	[sflag:s9] =	ssyncadd.s32 @!p0 $0xFFFFE000  }
0x168: {  	v5 =	vld [tilespmem:s16+$0x0];
	_ =	sdelay $0x4  }
0x169: {  	s17 =	simm.s32 $0x0;
	v6 =	vperm.xlane v5, v0  }
0x16a: {  	v7 =	vmov s17  }
0x16b: {  	v7 =	vshll.u32 v7, $0x3;
	v6 =	vadd.s32 v2, v6  }
0x16c: {  	v9 =	vor.u32 v1, v7;
	v8 =	vand.u32 $0xFFFFFFF8, v6  }
0x16d: {  	v6 =	vand.u32 $0x7, v6;
	v8 =	vadd.s32 v9, v8  }
0x16e: {  	v6 =	vor.u32 v6, v8  }
0x16f: {  	v5 =	vperm.xlane v5, v4;
	_ =	sdelay $0x1  }
0x170: {  	v5 =	vadd.s32 v2, v5  }
0x171: {  	v7 =	vor.u32 v3, v7;
	v63 =	vand.u32 $0xFFFFFFF8, v5  }
0x172: {  	v5 =	vand.u32 $0x7, v5;
	v7 =	vadd.s32 v7, v63;
	v6 =	vld.idx.msk [tilespmem:v6+s22+$0x0], $0xffff  }
0x173: {  	v5 =	vor.u32 v5, v7;
	_ =	sdelay $0x2  }
0x174: {  	s9 =	simm.s32 $0x16010  }
0x175: {  	[tilespmem:s9+$0xFFFFFFF0] =	vst v6  }
0x176: {  	v5 =	vld.idx.msk [tilespmem:v5+s22+$0x0], $0xffff;
	_ =	sdelay $0x4  }
0x177: {  	s15 =	simm.s32 $0x4010;
	[tilespmem:s9+$0x0] =	vst v5  }
0x178: {  	s14 =	simm.s32 $0x10;
	s16 =	simm.s32 $0x20;
	v5 =	vld [tilespmem:s15+$0x0]  }
.LBB2_25:
0x179: {  	p0 =	sne.s32 s16, $0xFF0;
	_ =	sdelay $0x3  }
0x17a: {  	v6 =	vperm.xlane v5, v0;
	v5 =	vperm.xlane v5, v4  }
0x17b: {  	v7 =	vmov s14;
	s14 =	smov.u32 s16  }
0x17c: {  	v7 =	vshll.u32 v7, $0x3;
	v6 =	vadd.s32 v2, v6  }
0x17d: {  	v9 =	vor.u32 v1, v7;
	v8 =	vand.u32 $0xFFFFFFF8, v6  }
0x17e: {  	v6 =	vand.u32 $0x7, v6;
	v8 =	vadd.s32 v9, v8  }
0x17f: {  	v6 =	vor.u32 v6, v8;
	_ =	sdelay $0x3  }
0x180: {  	v5 =	vadd.s32 v2, v5  }
0x181: {  	v7 =	vor.u32 v3, v7;
	v8 =	vand.u32 $0xFFFFFFF8, v5;
	v6 =	vld.idx.msk [tilespmem:v6+s22+$0x0], $0xffff  }
0x182: {  	v5 =	vand.u32 $0x7, v5;
	v7 =	vadd.s32 v7, v8  }
0x183: {  	v5 =	vor.u32 v5, v7;
	_ =	sdelay $0x2  }
0x184: {  	s9 =	sadd.s32 $0x20, s9  }
0x185: {  	[tilespmem:s9+$0xFFFFFFF0] =	vst v6  }
0x186: {  	v5 =	vld.idx.msk [tilespmem:v5+s22+$0x0], $0xffff;
	_ =	sdelay $0x2  }
.Ltmp11:
0x187: {  	(pc) =	sbr.rel @p0 .LBB2_25-.Ltmp11, $3  }
0x188: {  	_ =	sdelay $0x1  }
0x189: {  	s15 =	sadd.s32 $0x10, s15;
	[tilespmem:s9+$0x0] =	vst v5  }
0x18a: {  	s16 =	sadd.s32 $0x10, s16;
	v5 =	vld [tilespmem:s15+$0x0]  }
0x18b: {  	_ =	sdelay $0x3  }
0x18c: {  	v6 =	vperm.xlane v5, v0  }
0x18d: {  	v7 =	vmov s14  }
0x18e: {  	v7 =	vshll.u32 v7, $0x3;
	v6 =	vadd.s32 v2, v6  }
0x18f: {  	v9 =	vor.u32 v1, v7;
	v8 =	vand.u32 $0xFFFFFFF8, v6  }
0x190: {  	v6 =	vand.u32 $0x7, v6;
	v8 =	vadd.s32 v9, v8  }
0x191: {  	v6 =	vor.u32 v6, v8  }
0x192: {  	v5 =	vperm.xlane v5, v4;
	_ =	sdelay $0x1  }
0x193: {  	v5 =	vadd.s32 v2, v5  }
0x194: {  	v7 =	vor.u32 v3, v7;
	v63 =	vand.u32 $0xFFFFFFF8, v5  }
0x195: {  	v5 =	vand.u32 $0x7, v5;
	v7 =	vadd.s32 v7, v63;
	v6 =	vld.idx.msk [tilespmem:v6+s22+$0x0], $0xffff  }
0x196: {  	v5 =	vor.u32 v5, v7;
	_ =	sdelay $0x2  }
0x197: {  	s9 =	sadd.s32 $0x20, s9  }
0x198: {  	[tilespmem:s9+$0xFFFFFFF0] =	vst v6  }
0x199: {  	s16 =	sshll.u32 s8, $0xE;
	s8 =	sadd.s32 $0x1, s8;
	v5 =	vld.idx.msk [tilespmem:v5+s22+$0x0], $0xffff  }
0x19a: {  	p0 =	sne.s32 s8, $0x40  }
.Ltmp12:
0x19b: {  	_ = 	snop;
	(pc) =	sbr.rel @p0 .LBB2_16-.Ltmp12, $4  }
0x19c: {  	s14 =	sadd.s32 s13, s16  }
0x19d: {  	s14 =	sshrl.u32 s14, $0x3  }
0x19e: {  	s17 =	sadd.s32 s7, s14;
	[tilespmem:s9+$0x0] =	vst v5  }
0x19f: {  	[hbm4b:s17+s1] =	stream.linear.scatter [tilespmem:s28], [sflag:$0x5], $0x2000, $0x38;
	[tilespmem:$0x1A000] =	vst v63  }
0x1a0: {  	_ =	swait.ge [sflag:s29], $0x8000  }
0x1a1: {  	[sflag:s29] =	ssyncset.done $0x0  }
0x1a2: {  	[sflag:s29] =	ssyncadd.s32 $0xFFFF8000  }
0x1a3: {  	_ =	swait.ge [sflag:s30], $0x2000  }
0x1a4: {  	[sflag:s30] =	ssyncset.done $0x0  }
0x1a5: {  	s8 =	simm.s32 $0x5000;
	[sflag:s30] =	ssyncadd.s32 $0xFFFFE000  }
0x1a6: {  	v5 =	vld [tilespmem:s8+$0x0];
	_ =	sdelay $0x4  }
0x1a7: {  	s17 =	simm.s32 $0x0;
	v6 =	vperm.xlane v5, v0  }
0x1a8: {  	v7 =	vmov s17  }
0x1a9: {  	v7 =	vshll.u32 v7, $0x3;
	v6 =	vadd.s32 v2, v6  }
0x1aa: {  	v9 =	vor.u32 v1, v7;
	v8 =	vand.u32 $0xFFFFFFF8, v6  }
0x1ab: {  	v6 =	vand.u32 $0x7, v6;
	v8 =	vadd.s32 v9, v8  }
0x1ac: {  	v6 =	vor.u32 v6, v8  }
0x1ad: {  	v5 =	vperm.xlane v5, v4;
	_ =	sdelay $0x1  }
0x1ae: {  	v5 =	vadd.s32 v2, v5  }
0x1af: {  	v7 =	vor.u32 v3, v7;
	v63 =	vand.u32 $0xFFFFFFF8, v5  }
0x1b0: {  	v5 =	vand.u32 $0x7, v5;
	v7 =	vadd.s32 v7, v63;
	v6 =	vld.idx.msk [tilespmem:v6+s25+$0x0], $0xffff  }
0x1b1: {  	v5 =	vor.u32 v5, v7;
	_ =	sdelay $0x2  }
0x1b2: {  	s8 =	simm.s32 $0x18010  }
0x1b3: {  	[tilespmem:s8+$0xFFFFFFF0] =	vst v6  }
0x1b4: {  	v5 =	vld.idx.msk [tilespmem:v5+s25+$0x0], $0xffff;
	_ =	sdelay $0x4  }
0x1b5: {  	s14 =	simm.s32 $0x5010;
	[tilespmem:s8+$0x0] =	vst v5  }
0x1b6: {  	s9 =	simm.s32 $0x10;
	s15 =	simm.s32 $0x20;
	v5 =	vld [tilespmem:s14+$0x0]  }
.LBB2_28:
0x1b7: {  	p0 =	sne.s32 s15, $0xFF0;
	_ =	sdelay $0x3  }
0x1b8: {  	v6 =	vperm.xlane v5, v0;
	v5 =	vperm.xlane v5, v4  }
0x1b9: {  	v7 =	vmov s9;
	s9 =	smov.u32 s15  }
0x1ba: {  	v7 =	vshll.u32 v7, $0x3;
	v6 =	vadd.s32 v2, v6  }
0x1bb: {  	v9 =	vor.u32 v1, v7;
	v8 =	vand.u32 $0xFFFFFFF8, v6  }
0x1bc: {  	v6 =	vand.u32 $0x7, v6;
	v8 =	vadd.s32 v9, v8  }
0x1bd: {  	v6 =	vor.u32 v6, v8;
	_ =	sdelay $0x3  }
0x1be: {  	v5 =	vadd.s32 v2, v5  }
0x1bf: {  	v7 =	vor.u32 v3, v7;
	v8 =	vand.u32 $0xFFFFFFF8, v5;
	v6 =	vld.idx.msk [tilespmem:v6+s25+$0x0], $0xffff  }
0x1c0: {  	v5 =	vand.u32 $0x7, v5;
	v7 =	vadd.s32 v7, v8  }
0x1c1: {  	v5 =	vor.u32 v5, v7;
	_ =	sdelay $0x2  }
0x1c2: {  	s8 =	sadd.s32 $0x20, s8  }
0x1c3: {  	[tilespmem:s8+$0xFFFFFFF0] =	vst v6  }
0x1c4: {  	v5 =	vld.idx.msk [tilespmem:v5+s25+$0x0], $0xffff;
	_ =	sdelay $0x2  }
.Ltmp13:
0x1c5: {  	(pc) =	sbr.rel @p0 .LBB2_28-.Ltmp13, $3  }
0x1c6: {  	_ =	sdelay $0x1  }
0x1c7: {  	s14 =	sadd.s32 $0x10, s14;
	[tilespmem:s8+$0x0] =	vst v5  }
0x1c8: {  	s15 =	sadd.s32 $0x10, s15;
	v5 =	vld [tilespmem:s14+$0x0]  }
0x1c9: {  	_ =	sdelay $0x3  }
0x1ca: {  	v6 =	vperm.xlane v5, v0  }
0x1cb: {  	v7 =	vmov s9  }
0x1cc: {  	v7 =	vshll.u32 v7, $0x3;
	v6 =	vadd.s32 v2, v6  }
0x1cd: {  	v9 =	vor.u32 v1, v7;
	v8 =	vand.u32 $0xFFFFFFF8, v6  }
0x1ce: {  	v6 =	vand.u32 $0x7, v6;
	v8 =	vadd.s32 v9, v8  }
0x1cf: {  	v6 =	vor.u32 v6, v8  }
0x1d0: {  	v5 =	vperm.xlane v5, v4;
	_ =	sdelay $0x1  }
0x1d1: {  	v5 =	vadd.s32 v2, v5  }
0x1d2: {  	v7 =	vor.u32 v3, v7;
	v63 =	vand.u32 $0xFFFFFFF8, v5  }
0x1d3: {  	v5 =	vand.u32 $0x7, v5;
	v7 =	vadd.s32 v7, v63;
	v6 =	vld.idx.msk [tilespmem:v6+s25+$0x0], $0xffff  }
0x1d4: {  	v5 =	vor.u32 v5, v7;
	_ =	sdelay $0x2  }
0x1d5: {  	s8 =	sadd.s32 $0x20, s8  }
0x1d6: {  	[tilespmem:s8+$0xFFFFFFF0] =	vst v6  }
0x1d7: {  	v5 =	vld.idx.msk [tilespmem:v5+s25+$0x0], $0xffff;
	_ =	sdelay $0x4  }
0x1d8: {  	s17 =	rddreg [dreg:$0x7];
	s2 =	sadd.s32 $0x1, s2;
	[tilespmem:s8+$0x0] =	vst v5  }
0x1d9: {  	[hbm4b:s17+s1] =	stream.linear.scatter [tilespmem:s31], [sflag:$0x6], $0x2000, $0x38;
	[tilespmem:$0x1A000] =	vst v63  }
0x1da: {  	p0 =	sne.s32 s2, s18;
	_ =	swait.ge [sflag:s0], $0x2000  }
.Ltmp14:
0x1db: {  	[sflag:s0] =	ssyncset.done $0x0;
	(pc) =	sbr.rel @p0 .LBB2_1-.Ltmp14, $4  }
0x1dc: {  	[sflag:s0] =	ssyncadd.s32 $0xFFFFE000  }
0x1dd: {  	_ =	swait.ge [sflag:s30], $0x2000  }
0x1de: {  	[sflag:s30] =	ssyncset.done $0x0  }
0x1df: {  	[sflag:s30] =	ssyncadd.s32 $0xFFFFE000  }
0x1e0: {  	_ =	sfence.sel $0x180000  }
0x1e1: {  	[bflag:$0x0] =	sbarrier.arrive $0xFFFF  }
0x1e2: {  	_ =	strace $0x90000047  }
0x1e3: {  	s0 =	stileid.u32;
	[bflag:$0x2] =	sbarrier.arrive $0xFFFF  }
0x1e4: {  	p0 =	sne.s32 s0, $0x0;
	s0 =	rddreg [dreg:$0x1]  }
0x1e5: {  	s0 =	sadd.s32 @!p0 $0x100000, s0  }
0x1e6: {  	[sflag:s0] =	ssyncadd.tile.s32 @!p0 $0x1;
	_ =	shalt  }
.Lfunc_end2:
_tile_overlayer_lowered:
.L_overlay_start_2:
0x1e7: {  	(tag) =	ssettag $0x2  }
0x1e8: {  	s0 =	rddreg [dreg:$0x0];
	s2 =	stileid.u32  }
0x1e9: {  	s1 =	rddreg [dreg:$0x1];
	p0 =	sne.s32 s2, $0x0  }
0x1ea: {  	s3 =	rddreg [dreg:$0x2];
	[bflag:$0x3] =	sbarrier.arrive $0xFFFF;
	s2 =	simm.s32 @!p0 $0x1C07  }
0x1eb: {  	[timem:s3], [sflag:s2] =	dma.local @!p0 [hbm:s0], s1  }
0x1ec: {  	s0 =	simm.s32 @!p0 $0x7  }
0x1ed: {  	_ =	swait.ge @!p0 [sflag:s0], s1  }
0x1ee: {  	s1 =	ssub.s32 @!p0 $0x0, s1;
	[sflag:s0] =	ssyncset.done @!p0 $0x0  }
0x1ef: {  	[sflag:s0] =	ssyncadd.s32 @!p0 s1  }
0x1f0: {  	[bflag:$0x3] =	sbarrier.arrive $0xFFFF  }
0x1f1: {  	_ =	shalt  }

</sc_bundles>
